<compile_context>
chip_gen: v7x
topology: tpu7x:2x2x1
jax: 0.10.2.dev20260603
libtpu: 0.0.44.dev20260713+nightly
codegen_flags: <defaults>
</compile_context>

<pallas_src>
import functools

import jax
import jax.numpy as jnp
from jax import lax
from jax.experimental import pallas as pl
from jax.experimental.pallas import tpu as pltpu
from jax.experimental.pallas import tpu_sc as plsc

_NSLOT = 5
_DEPTH = 4


def _gather_fn(n_total, n_vocab, d_model, n_cores, n_subcores, chunk,
               n_chunks):
    n_workers = n_cores * n_subcores
    n_per_w = n_total // n_workers

    mesh = plsc.VectorSubcoreMesh(core_axis_name="c", subcore_axis_name="s")

    @functools.partial(
        pl.kernel,
        out_type=jax.ShapeDtypeStruct((n_total, d_model), jnp.float32),
        mesh=mesh,
        scratch_types=[
            pltpu.VMEM_SHARED((n_vocab, d_model), jnp.float32),
            pltpu.VMEM((n_per_w,), jnp.int32),
            pltpu.VMEM((_NSLOT, chunk, d_model), jnp.float32),
            pltpu.SemaphoreType.DMA((_NSLOT,)),
            pltpu.SemaphoreType.DMA((_NSLOT,)),
        ],
    )
    def run(idx_hbm, table_hbm, out_hbm, table_s, idx_v, rows_v, sem_g,
            sem_s):
        sid = lax.axis_index("s")
        wid = sid * n_cores + lax.axis_index("c")
        base = wid * n_per_w

        @pl.when(sid == 0)
        def _():
            pltpu.sync_copy(table_hbm, table_s)

        pltpu.sync_copy(idx_hbm.at[pl.ds(base, n_per_w)], idx_v)
        plsc.subcore_barrier()

        def gather(i, slot):
            return pltpu.make_async_copy(
                table_s.at[idx_v.at[pl.ds(i * chunk, chunk)]],
                rows_v.at[slot],
                sem_g.at[slot],
            )

        def store(i, slot):
            return pltpu.make_async_copy(
                rows_v.at[slot],
                out_hbm.at[pl.ds(base + i * chunk, chunk)],
                sem_s.at[slot],
            )

        for b in range(_DEPTH):
            gather(b, b).start()

        for b in range(_NSLOT):
            gather(b, b).wait()
            store(b, b).start()
            nslot = (b + _DEPTH) % _NSLOT
            if b >= 1:
                store(b - 1, nslot).wait()
            gather(b + _DEPTH, nslot).start()

        def body(g, carry):
            for b in range(_NSLOT):
                i = g * _NSLOT + b
                nslot = (b + _DEPTH) % _NSLOT
                gather(i, b).wait()
                store(i, b).start()
                store(i - 1, nslot).wait()
                gather(i + _DEPTH, nslot).start()
            return carry

        lax.fori_loop(1, n_chunks // _NSLOT - 1, body, 0)

        g_last = n_chunks // _NSLOT - 1
        for b in range(_NSLOT):
            i = g_last * _NSLOT + b
            nslot = (b + _DEPTH) % _NSLOT
            gather(i, b).wait()
            store(i, b).start()
            if i + _DEPTH < n_chunks:
                store(i - 1, nslot).wait()
                gather(i + _DEPTH, nslot).start()

        for b in range(_NSLOT):
            store(g_last * _NSLOT + b, b).wait()

    return run


def kernel(positions, pe):
    b, s = positions.shape
    v, d = pe.shape
    n_total = b * s
    idx_flat = positions.reshape(n_total).astype(jnp.int32)

    info = plsc.get_sparse_core_info()
    n_cores, n_subcores = info.num_cores, info.num_subcores
    n_workers = n_cores * n_subcores
    n_per_w = n_total // n_workers
    chunk = 128
    n_chunks = n_per_w // chunk

    out = _gather_fn(n_total, v, d, n_cores, n_subcores, chunk, n_chunks)(
        idx_flat, pe
    )
    return out.reshape(b, s, d)

# --- scband reference (transcript-rebuilt; emitter-appended) ---
"""Pipeline reference for scband-sinusoidal-positional-encoding-32272384262646 (READ-ONLY COPY).

The authoritative reference and input builder live on the scoring server;
editing this copy changes nothing except your own understanding.
"""

import jax, jax.numpy as jnp
import numpy as np
import math

D_MODEL = 128
MAX_LEN = 367
T_CONST = 1000.0

def _build_pe():
    pe = np.zeros((MAX_LEN, D_MODEL), dtype=np.float32)
    position = np.arange(0, MAX_LEN, dtype=np.float32)[:, None]
    div_term = np.exp(np.arange(0, D_MODEL, 2, dtype=np.float32) * (-math.log(T_CONST) / D_MODEL))
    pe[:, 0::2] = np.sin(position * div_term)
    pe[:, 1::2] = np.cos(position * div_term)
    return jnp.asarray(pe)

def setup_inputs(seed: int = 0) -> dict:
    key = jax.random.key(seed)
    positions = jax.random.randint(key, (4096, 200), 0, MAX_LEN, dtype=jnp.int64 if jax.config.jax_enable_x64 else jnp.int32)
    pe = _build_pe()
    return {"positions": positions, "pe": pe}

def reference(positions, pe):
    max_len = pe.shape[0]
    pos_indices = jnp.clip(positions, 0, max_len - 1).astype(jnp.int32)
    return jnp.take(pe, pos_indices, axis=0)

if __name__ == "__main__":
    import jax
    _d = setup_inputs()
    print(jax.jit(kernel)(*tuple(_d.values())))

</pallas_src>

<mosaic_0001>
#map = affine_map<(d0, d1) -> (0)>
#map1 = affine_map<(d0, d1) -> (0, 0)>
module attributes {stable_mosaic.version = 14 : i64} {
  func.func @run(%arg0: i32, %arg1: i32, %arg2: memref<819200xi32, #tpu.memory_space<hbm>>, %arg3: memref<367x128xf32, #tpu.memory_space<hbm>>, %arg4: memref<819200x128xf32, #tpu.memory_space<hbm>>, %arg5: memref<367x128xf32, #tpu.memory_space<vmem_shared>>, %arg6: memref<25600xi32, #tpu.memory_space<vmem>>, %arg7: memref<5x128x128xf32, #tpu.memory_space<vmem>>, %arg8: memref<5x!tpu.dma_semaphore, #tpu.memory_space<semaphore_mem>>, %arg9: memref<5x!tpu.dma_semaphore, #tpu.memory_space<semaphore_mem>>) attributes {dimension_semantics = [#tpu.dimension_semantics<core_parallel>, #tpu.dimension_semantics<subcore_parallel>], iteration_bounds = array<i64: 2, 16>, scalar_prefetch = 0 : i64, scratch_operands = 5 : i64, tpu.core_type = #tpu.core_type<sc_vector_subcore>, window_params = [{transform_indices = #map}, {transform_indices = #map1}, {transform_indices = #map1}]} {
    %mul3A = arith.constant 2 : i32
    %mul3A_0 = arith.muli %arg1, %mul3A : i32
    %add3A = arith.addi %mul3A_0, %arg0 : i32
    %mul3A_1 = arith.constant 25600 : i32
    %mul3A_2 = arith.muli %add3A, %mul3A_1 : i32
    %eq3A = arith.constant 0 : i32
    %eq3A_3 = arith.cmpi eq, %arg1, %eq3A : i32
    %convert_element_type3A = arith.extui %eq3A_3 : i1 to i32
    %cond3A = arith.constant 0 : i32
    %cond3A_4 = arith.cmpi ne, %convert_element_type3A, %cond3A : i32
    scf.if %cond3A_4 {
      "tpu.region"() ({
        %run_scoped3A = tpu.sem_alloc : memref<!tpu.dma_semaphore, #tpu.memory_space<semaphore_mem>>
        tpu.enqueue_dma source(%arg3 : memref<367x128xf32, #tpu.memory_space<hbm>>) target(%arg5 : memref<367x128xf32, #tpu.memory_space<vmem_shared>>) target_semaphore(%run_scoped3A : memref<!tpu.dma_semaphore, #tpu.memory_space<semaphore_mem>>)
        tpu.wait_dma2 semaphore(%run_scoped3A : memref<!tpu.dma_semaphore, #tpu.memory_space<semaphore_mem>>) src(%arg3 : memref<367x128xf32, #tpu.memory_space<hbm>>) dst(%arg5 : memref<367x128xf32, #tpu.memory_space<vmem_shared>>)
        tpu.yield
      }) : () -> ()
    } else {
    }
    "tpu.region"() ({
      %run_scoped3A = tpu.sem_alloc : memref<!tpu.dma_semaphore, #tpu.memory_space<semaphore_mem>>
      %dma_start3A_628 = tpu.memref_slice %arg2[%mul3A_2] : memref<819200xi32, #tpu.memory_space<hbm>> -> memref<25600xi32, #tpu.memory_space<hbm>>
      %dma_start3A_629 = tpu.memref_slice %arg2[%mul3A_2] : memref<819200xi32, #tpu.memory_space<hbm>> -> memref<25600xi32, #tpu.memory_space<hbm>>
      tpu.enqueue_dma source(%dma_start3A_629 : memref<25600xi32, #tpu.memory_space<hbm>>) target(%arg6 : memref<25600xi32, #tpu.memory_space<vmem>>) target_semaphore(%run_scoped3A : memref<!tpu.dma_semaphore, #tpu.memory_space<semaphore_mem>>)
      %dma_wait3A_630 = tpu.memref_slice %arg2[%mul3A_2] : memref<819200xi32, #tpu.memory_space<hbm>> -> memref<25600xi32, #tpu.memory_space<hbm>>
      %dma_wait3A_631 = tpu.memref_slice %arg2[%mul3A_2] : memref<819200xi32, #tpu.memory_space<hbm>> -> memref<25600xi32, #tpu.memory_space<hbm>>
      tpu.wait_dma2 semaphore(%run_scoped3A : memref<!tpu.dma_semaphore, #tpu.memory_space<semaphore_mem>>) src(%dma_wait3A_631 : memref<25600xi32, #tpu.memory_space<hbm>>) dst(%arg6 : memref<25600xi32, #tpu.memory_space<vmem>>)
      tpu.yield
    }) : () -> ()
    %barrier3A = arith.constant 0 : index
    tpu.barrier barrier_id(%barrier3A)
    %dma_start3A = arith.constant 0 : i32
    %dma_start3A_5 = arith.constant 0 : i32
    %dma_start3A_6 = arith.constant 0 : i32
    %dma_start3A_7 = arith.constant 0 : i32
    %dma_start3A_8 = tpu.memref_slice %arg7[%dma_start3A, %dma_start3A_6, %dma_start3A_7] : memref<5x128x128xf32, #tpu.memory_space<vmem>> -> memref<1x128x128xf32, #tpu.memory_space<vmem>>
    %dma_start3A_9 = tpu.memref_squeeze %dma_start3A_8 : memref<1x128x128xf32, #tpu.memory_space<vmem>> -> memref<128x128xf32, #tpu.memory_space<vmem>>
    %dma_start3A_10 = arith.constant 0 : i32
    %dma_start3A_11 = tpu.memref_slice %arg6[%dma_start3A_10] : memref<25600xi32, #tpu.memory_space<vmem>> -> memref<128xi32, #tpu.memory_space<vmem>>
    %dma_start3A_12 = arith.constant 0 : i32
    %dma_start3A_13 = arith.constant 0 : i32
    %dma_start3A_14 = tpu.memref_slice %arg5[%dma_start3A_12, %dma_start3A_13] : memref<367x128xf32, #tpu.memory_space<vmem_shared>> -> memref<367x128xf32, #tpu.memory_space<vmem_shared>>
    %dma_start3A_15 = tpu.memref_slice %arg8[%dma_start3A_5] : memref<5x!tpu.dma_semaphore, #tpu.memory_space<semaphore_mem>> -> memref<1x!tpu.dma_semaphore, #tpu.memory_space<semaphore_mem>>
    %dma_start3A_16 = tpu.memref_squeeze %dma_start3A_15 : memref<1x!tpu.dma_semaphore, #tpu.memory_space<semaphore_mem>> -> memref<!tpu.dma_semaphore, #tpu.memory_space<semaphore_mem>>
    tpu.enqueue_indirect_dma source(%dma_start3A_14 : memref<367x128xf32, #tpu.memory_space<vmem_shared>>) target(%dma_start3A_9 : memref<128x128xf32, #tpu.memory_space<vmem>>) offsets(%dma_start3A_11 : memref<128xi32, #tpu.memory_space<vmem>>) semaphore(%dma_start3A_16 : memref<!tpu.dma_semaphore, #tpu.memory_space<semaphore_mem>>)
    %dma_start3A_17 = arith.constant 1 : i32
    %dma_start3A_18 = arith.constant 1 : i32
    %dma_start3A_19 = arith.constant 0 : i32
    %dma_start3A_20 = arith.constant 0 : i32
    %dma_start3A_21 = tpu.memref_slice %arg7[%dma_start3A_17, %dma_start3A_19, %dma_start3A_20] : memref<5x128x128xf32, #tpu.memory_space<vmem>> -> memref<1x128x128xf32, #tpu.memory_space<vmem>>
    %dma_start3A_22 = tpu.memref_squeeze %dma_start3A_21 : memref<1x128x128xf32, #tpu.memory_space<vmem>> -> memref<128x128xf32, #tpu.memory_space<vmem>>
    %dma_start3A_23 = arith.constant 128 : i32
    %dma_start3A_24 = tpu.memref_slice %arg6[%dma_start3A_23] : memref<25600xi32, #tpu.memory_space<vmem>> -> memref<128xi32, #tpu.memory_space<vmem>>
    %dma_start3A_25 = arith.constant 0 : i32
    %dma_start3A_26 = arith.constant 0 : i32
    %dma_start3A_27 = tpu.memref_slice %arg5[%dma_start3A_25, %dma_start3A_26] : memref<367x128xf32, #tpu.memory_space<vmem_shared>> -> memref<367x128xf32, #tpu.memory_space<vmem_shared>>
    %dma_start3A_28 = tpu.memref_slice %arg8[%dma_start3A_18] : memref<5x!tpu.dma_semaphore, #tpu.memory_space<semaphore_mem>> -> memref<1x!tpu.dma_semaphore, #tpu.memory_space<semaphore_mem>>
    %dma_start3A_29 = tpu.memref_squeeze %dma_start3A_28 : memref<1x!tpu.dma_semaphore, #tpu.memory_space<semaphore_mem>> -> memref<!tpu.dma_semaphore, #tpu.memory_space<semaphore_mem>>
    tpu.enqueue_indirect_dma source(%dma_start3A_27 : memref<367x128xf32, #tpu.memory_space<vmem_shared>>) target(%dma_start3A_22 : memref<128x128xf32, #tpu.memory_space<vmem>>) offsets(%dma_start3A_24 : memref<128xi32, #tpu.memory_space<vmem>>) semaphore(%dma_start3A_29 : memref<!tpu.dma_semaphore, #tpu.memory_space<semaphore_mem>>)
    %dma_start3A_30 = arith.constant 2 : i32
    %dma_start3A_31 = arith.constant 2 : i32
    %dma_start3A_32 = arith.constant 0 : i32
    %dma_start3A_33 = arith.constant 0 : i32
    %dma_start3A_34 = tpu.memref_slice %arg7[%dma_start3A_30, %dma_start3A_32, %dma_start3A_33] : memref<5x128x128xf32, #tpu.memory_space<vmem>> -> memref<1x128x128xf32, #tpu.memory_space<vmem>>
    %dma_start3A_35 = tpu.memref_squeeze %dma_start3A_34 : memref<1x128x128xf32, #tpu.memory_space<vmem>> -> memref<128x128xf32, #tpu.memory_space<vmem>>
    %dma_start3A_36 = arith.constant 256 : i32
    %dma_start3A_37 = tpu.memref_slice %arg6[%dma_start3A_36] : memref<25600xi32, #tpu.memory_space<vmem>> -> memref<128xi32, #tpu.memory_space<vmem>>
    %dma_start3A_38 = arith.constant 0 : i32
    %dma_start3A_39 = arith.constant 0 : i32
    %dma_start3A_40 = tpu.memref_slice %arg5[%dma_start3A_38, %dma_start3A_39] : memref<367x128xf32, #tpu.memory_space<vmem_shared>> -> memref<367x128xf32, #tpu.memory_space<vmem_shared>>
    %dma_start3A_41 = tpu.memref_slice %arg8[%dma_start3A_31] : memref<5x!tpu.dma_semaphore, #tpu.memory_space<semaphore_mem>> -> memref<1x!tpu.dma_semaphore, #tpu.memory_space<semaphore_mem>>
    %dma_start3A_42 = tpu.memref_squeeze %dma_start3A_41 : memref<1x!tpu.dma_semaphore, #tpu.memory_space<semaphore_mem>> -> memref<!tpu.dma_semaphore, #tpu.memory_space<semaphore_mem>>
    tpu.enqueue_indirect_dma source(%dma_start3A_40 : memref<367x128xf32, #tpu.memory_space<vmem_shared>>) target(%dma_start3A_35 : memref<128x128xf32, #tpu.memory_space<vmem>>) offsets(%dma_start3A_37 : memref<128xi32, #tpu.memory_space<vmem>>) semaphore(%dma_start3A_42 : memref<!tpu.dma_semaphore, #tpu.memory_space<semaphore_mem>>)
    %dma_start3A_43 = arith.constant 3 : i32
    %dma_start3A_44 = arith.constant 3 : i32
    %dma_start3A_45 = arith.constant 0 : i32
    %dma_start3A_46 = arith.constant 0 : i32
    %dma_start3A_47 = tpu.memref_slice %arg7[%dma_start3A_43, %dma_start3A_45, %dma_start3A_46] : memref<5x128x128xf32, #tpu.memory_space<vmem>> -> memref<1x128x128xf32, #tpu.memory_space<vmem>>
    %dma_start3A_48 = tpu.memref_squeeze %dma_start3A_47 : memref<1x128x128xf32, #tpu.memory_space<vmem>> -> memref<128x128xf32, #tpu.memory_space<vmem>>
    %dma_start3A_49 = arith.constant 384 : i32
    %dma_start3A_50 = tpu.memref_slice %arg6[%dma_start3A_49] : memref<25600xi32, #tpu.memory_space<vmem>> -> memref<128xi32, #tpu.memory_space<vmem>>
    %dma_start3A_51 = arith.constant 0 : i32
    %dma_start3A_52 = arith.constant 0 : i32
    %dma_start3A_53 = tpu.memref_slice %arg5[%dma_start3A_51, %dma_start3A_52] : memref<367x128xf32, #tpu.memory_space<vmem_shared>> -> memref<367x128xf32, #tpu.memory_space<vmem_shared>>
    %dma_start3A_54 = tpu.memref_slice %arg8[%dma_start3A_44] : memref<5x!tpu.dma_semaphore, #tpu.memory_space<semaphore_mem>> -> memref<1x!tpu.dma_semaphore, #tpu.memory_space<semaphore_mem>>
    %dma_start3A_55 = tpu.memref_squeeze %dma_start3A_54 : memref<1x!tpu.dma_semaphore, #tpu.memory_space<semaphore_mem>> -> memref<!tpu.dma_semaphore, #tpu.memory_space<semaphore_mem>>
    tpu.enqueue_indirect_dma source(%dma_start3A_53 : memref<367x128xf32, #tpu.memory_space<vmem_shared>>) target(%dma_start3A_48 : memref<128x128xf32, #tpu.memory_space<vmem>>) offsets(%dma_start3A_50 : memref<128xi32, #tpu.memory_space<vmem>>) semaphore(%dma_start3A_55 : memref<!tpu.dma_semaphore, #tpu.memory_space<semaphore_mem>>)
    %dma_wait3A = arith.constant 0 : i32
    %dma_wait3A_56 = arith.constant 0 : i32
    %dma_wait3A_57 = arith.constant 0 : i32
    %dma_wait3A_58 = arith.constant 0 : i32
    %dma_wait3A_59 = tpu.memref_slice %arg7[%dma_wait3A, %dma_wait3A_57, %dma_wait3A_58] : memref<5x128x128xf32, #tpu.memory_space<vmem>> -> memref<1x128x128xf32, #tpu.memory_space<vmem>>
    %dma_wait3A_60 = tpu.memref_squeeze %dma_wait3A_59 : memref<1x128x128xf32, #tpu.memory_space<vmem>> -> memref<128x128xf32, #tpu.memory_space<vmem>>
    %dma_wait3A_61 = arith.constant 0 : i32
    %dma_wait3A_62 = tpu.memref_slice %arg6[%dma_wait3A_61] : memref<25600xi32, #tpu.memory_space<vmem>> -> memref<128xi32, #tpu.memory_space<vmem>>
    %dma_wait3A_63 = arith.constant 0 : i32
    %dma_wait3A_64 = arith.constant 0 : i32
    %dma_wait3A_65 = tpu.memref_slice %arg5[%dma_wait3A_63, %dma_wait3A_64] : memref<367x128xf32, #tpu.memory_space<vmem_shared>> -> memref<367x128xf32, #tpu.memory_space<vmem_shared>>
    %dma_wait3A_66 = tpu.memref_slice %arg8[%dma_wait3A_56] : memref<5x!tpu.dma_semaphore, #tpu.memory_space<semaphore_mem>> -> memref<1x!tpu.dma_semaphore, #tpu.memory_space<semaphore_mem>>
    %dma_wait3A_67 = tpu.memref_squeeze %dma_wait3A_66 : memref<1x!tpu.dma_semaphore, #tpu.memory_space<semaphore_mem>> -> memref<!tpu.dma_semaphore, #tpu.memory_space<semaphore_mem>>
    tpu.wait_indirect_dma semaphore(%dma_wait3A_67 : memref<!tpu.dma_semaphore, #tpu.memory_space<semaphore_mem>>) src(%dma_wait3A_65 : memref<367x128xf32, #tpu.memory_space<vmem_shared>>) dst(%dma_wait3A_60 : memref<128x128xf32, #tpu.memory_space<vmem>>)
    %add3A_68 = arith.constant 0 : i32
    %add3A_69 = arith.addi %mul3A_2, %add3A_68 : i32
    %dma_start3A_70 = arith.constant 0 : i32
    %dma_start3A_71 = arith.constant 0 : i32
    %dma_start3A_72 = arith.constant 0 : i32
    %dma_start3A_73 = arith.constant 0 : i32
    %dma_start3A_74 = tpu.memref_slice %arg7[%dma_start3A_70, %dma_start3A_72, %dma_start3A_73] : memref<5x128x128xf32, #tpu.memory_space<vmem>> -> memref<1x128x128xf32, #tpu.memory_space<vmem>>
    %dma_start3A_75 = tpu.memref_squeeze %dma_start3A_74 : memref<1x128x128xf32, #tpu.memory_space<vmem>> -> memref<128x128xf32, #tpu.memory_space<vmem>>
    %dma_start3A_76 = arith.constant 0 : i32
    %dma_start3A_77 = tpu.memref_slice %arg4[%add3A_69, %dma_start3A_76] : memref<819200x128xf32, #tpu.memory_space<hbm>> -> memref<128x128xf32, #tpu.memory_space<hbm>>
    %dma_start3A_78 = tpu.memref_slice %arg9[%dma_start3A_71] : memref<5x!tpu.dma_semaphore, #tpu.memory_space<semaphore_mem>> -> memref<1x!tpu.dma_semaphore, #tpu.memory_space<semaphore_mem>>
    %dma_start3A_79 = tpu.memref_squeeze %dma_start3A_78 : memref<1x!tpu.dma_semaphore, #tpu.memory_space<semaphore_mem>> -> memref<!tpu.dma_semaphore, #tpu.memory_space<semaphore_mem>>
    %dma_start3A_80 = arith.constant 0 : i32
    %dma_start3A_81 = tpu.memref_slice %arg4[%add3A_69, %dma_start3A_80] : memref<819200x128xf32, #tpu.memory_space<hbm>> -> memref<128x128xf32, #tpu.memory_space<hbm>>
    %dma_start3A_82 = arith.constant 0 : i32
    %dma_start3A_83 = arith.constant 0 : i32
    %dma_start3A_84 = tpu.memref_slice %arg7[%dma_start3A_70, %dma_start3A_82, %dma_start3A_83] : memref<5x128x128xf32, #tpu.memory_space<vmem>> -> memref<1x128x128xf32, #tpu.memory_space<vmem>>
    %dma_start3A_85 = tpu.memref_squeeze %dma_start3A_84 : memref<1x128x128xf32, #tpu.memory_space<vmem>> -> memref<128x128xf32, #tpu.memory_space<vmem>>
    tpu.enqueue_dma source(%dma_start3A_85 : memref<128x128xf32, #tpu.memory_space<vmem>>) target(%dma_start3A_81 : memref<128x128xf32, #tpu.memory_space<hbm>>) target_semaphore(%dma_start3A_79 : memref<!tpu.dma_semaphore, #tpu.memory_space<semaphore_mem>>)
    %dma_start3A_86 = arith.constant 4 : i32
    %dma_start3A_87 = arith.constant 4 : i32
    %dma_start3A_88 = arith.constant 0 : i32
    %dma_start3A_89 = arith.constant 0 : i32
    %dma_start3A_90 = tpu.memref_slice %arg7[%dma_start3A_86, %dma_start3A_88, %dma_start3A_89] : memref<5x128x128xf32, #tpu.memory_space<vmem>> -> memref<1x128x128xf32, #tpu.memory_space<vmem>>
    %dma_start3A_91 = tpu.memref_squeeze %dma_start3A_90 : memref<1x128x128xf32, #tpu.memory_space<vmem>> -> memref<128x128xf32, #tpu.memory_space<vmem>>
    %dma_start3A_92 = arith.constant 512 : i32
    %dma_start3A_93 = tpu.memref_slice %arg6[%dma_start3A_92] : memref<25600xi32, #tpu.memory_space<vmem>> -> memref<128xi32, #tpu.memory_space<vmem>>
    %dma_start3A_94 = arith.constant 0 : i32
    %dma_start3A_95 = arith.constant 0 : i32
    %dma_start3A_96 = tpu.memref_slice %arg5[%dma_start3A_94, %dma_start3A_95] : memref<367x128xf32, #tpu.memory_space<vmem_shared>> -> memref<367x128xf32, #tpu.memory_space<vmem_shared>>
    %dma_start3A_97 = tpu.memref_slice %arg8[%dma_start3A_87] : memref<5x!tpu.dma_semaphore, #tpu.memory_space<semaphore_mem>> -> memref<1x!tpu.dma_semaphore, #tpu.memory_space<semaphore_mem>>
    %dma_start3A_98 = tpu.memref_squeeze %dma_start3A_97 : memref<1x!tpu.dma_semaphore, #tpu.memory_space<semaphore_mem>> -> memref<!tpu.dma_semaphore, #tpu.memory_space<semaphore_mem>>
    tpu.enqueue_indirect_dma source(%dma_start3A_96 : memref<367x128xf32, #tpu.memory_space<vmem_shared>>) target(%dma_start3A_91 : memref<128x128xf32, #tpu.memory_space<vmem>>) offsets(%dma_start3A_93 : memref<128xi32, #tpu.memory_space<vmem>>) semaphore(%dma_start3A_98 : memref<!tpu.dma_semaphore, #tpu.memory_space<semaphore_mem>>)
    %dma_wait3A_99 = arith.constant 1 : i32
    %dma_wait3A_100 = arith.constant 1 : i32
    %dma_wait3A_101 = arith.constant 0 : i32
    %dma_wait3A_102 = arith.constant 0 : i32
    %dma_wait3A_103 = tpu.memref_slice %arg7[%dma_wait3A_99, %dma_wait3A_101, %dma_wait3A_102] : memref<5x128x128xf32, #tpu.memory_space<vmem>> -> memref<1x128x128xf32, #tpu.memory_space<vmem>>
    %dma_wait3A_104 = tpu.memref_squeeze %dma_wait3A_103 : memref<1x128x128xf32, #tpu.memory_space<vmem>> -> memref<128x128xf32, #tpu.memory_space<vmem>>
    %dma_wait3A_105 = arith.constant 128 : i32
    %dma_wait3A_106 = tpu.memref_slice %arg6[%dma_wait3A_105] : memref<25600xi32, #tpu.memory_space<vmem>> -> memref<128xi32, #tpu.memory_space<vmem>>
    %dma_wait3A_107 = arith.constant 0 : i32
    %dma_wait3A_108 = arith.constant 0 : i32
    %dma_wait3A_109 = tpu.memref_slice %arg5[%dma_wait3A_107, %dma_wait3A_108] : memref<367x128xf32, #tpu.memory_space<vmem_shared>> -> memref<367x128xf32, #tpu.memory_space<vmem_shared>>
    %dma_wait3A_110 = tpu.memref_slice %arg8[%dma_wait3A_100] : memref<5x!tpu.dma_semaphore, #tpu.memory_space<semaphore_mem>> -> memref<1x!tpu.dma_semaphore, #tpu.memory_space<semaphore_mem>>
    %dma_wait3A_111 = tpu.memref_squeeze %dma_wait3A_110 : memref<1x!tpu.dma_semaphore, #tpu.memory_space<semaphore_mem>> -> memref<!tpu.dma_semaphore, #tpu.memory_space<semaphore_mem>>
    tpu.wait_indirect_dma semaphore(%dma_wait3A_111 : memref<!tpu.dma_semaphore, #tpu.memory_space<semaphore_mem>>) src(%dma_wait3A_109 : memref<367x128xf32, #tpu.memory_space<vmem_shared>>) dst(%dma_wait3A_104 : memref<128x128xf32, #tpu.memory_space<vmem>>)
    %add3A_112 = arith.constant 128 : i32
    %add3A_113 = arith.addi %mul3A_2, %add3A_112 : i32
    %dma_start3A_114 = arith.constant 1 : i32
    %dma_start3A_115 = arith.constant 1 : i32
    %dma_start3A_116 = arith.constant 0 : i32
    %dma_start3A_117 = arith.constant 0 : i32
    %dma_start3A_118 = tpu.memref_slice %arg7[%dma_start3A_114, %dma_start3A_116, %dma_start3A_117] : memref<5x128x128xf32, #tpu.memory_space<vmem>> -> memref<1x128x128xf32, #tpu.memory_space<vmem>>
    %dma_start3A_119 = tpu.memref_squeeze %dma_start3A_118 : memref<1x128x128xf32, #tpu.memory_space<vmem>> -> memref<128x128xf32, #tpu.memory_space<vmem>>
    %dma_start3A_120 = arith.constant 0 : i32
    %dma_start3A_121 = tpu.memref_slice %arg4[%add3A_113, %dma_start3A_120] : memref<819200x128xf32, #tpu.memory_space<hbm>> -> memref<128x128xf32, #tpu.memory_space<hbm>>
    %dma_start3A_122 = tpu.memref_slice %arg9[%dma_start3A_115] : memref<5x!tpu.dma_semaphore, #tpu.memory_space<semaphore_mem>> -> memref<1x!tpu.dma_semaphore, #tpu.memory_space<semaphore_mem>>
    %dma_start3A_123 = tpu.memref_squeeze %dma_start3A_122 : memref<1x!tpu.dma_semaphore, #tpu.memory_space<semaphore_mem>> -> memref<!tpu.dma_semaphore, #tpu.memory_space<semaphore_mem>>
    %dma_start3A_124 = arith.constant 0 : i32
    %dma_start3A_125 = tpu.memref_slice %arg4[%add3A_113, %dma_start3A_124] : memref<819200x128xf32, #tpu.memory_space<hbm>> -> memref<128x128xf32, #tpu.memory_space<hbm>>
    %dma_start3A_126 = arith.constant 0 : i32
    %dma_start3A_127 = arith.constant 0 : i32
    %dma_start3A_128 = tpu.memref_slice %arg7[%dma_start3A_114, %dma_start3A_126, %dma_start3A_127] : memref<5x128x128xf32, #tpu.memory_space<vmem>> -> memref<1x128x128xf32, #tpu.memory_space<vmem>>
    %dma_start3A_129 = tpu.memref_squeeze %dma_start3A_128 : memref<1x128x128xf32, #tpu.memory_space<vmem>> -> memref<128x128xf32, #tpu.memory_space<vmem>>
    tpu.enqueue_dma source(%dma_start3A_129 : memref<128x128xf32, #tpu.memory_space<vmem>>) target(%dma_start3A_125 : memref<128x128xf32, #tpu.memory_space<hbm>>) target_semaphore(%dma_start3A_123 : memref<!tpu.dma_semaphore, #tpu.memory_space<semaphore_mem>>)
    %add3A_130 = arith.constant 0 : i32
    %add3A_131 = arith.addi %mul3A_2, %add3A_130 : i32
    %dma_wait3A_132 = arith.constant 0 : i32
    %dma_wait3A_133 = arith.constant 0 : i32
    %dma_wait3A_134 = arith.constant 0 : i32
    %dma_wait3A_135 = arith.constant 0 : i32
    %dma_wait3A_136 = tpu.memref_slice %arg7[%dma_wait3A_132, %dma_wait3A_134, %dma_wait3A_135] : memref<5x128x128xf32, #tpu.memory_space<vmem>> -> memref<1x128x128xf32, #tpu.memory_space<vmem>>
    %dma_wait3A_137 = tpu.memref_squeeze %dma_wait3A_136 : memref<1x128x128xf32, #tpu.memory_space<vmem>> -> memref<128x128xf32, #tpu.memory_space<vmem>>
    %dma_wait3A_138 = arith.constant 0 : i32
    %dma_wait3A_139 = tpu.memref_slice %arg4[%add3A_131, %dma_wait3A_138] : memref<819200x128xf32, #tpu.memory_space<hbm>> -> memref<128x128xf32, #tpu.memory_space<hbm>>
    %dma_wait3A_140 = tpu.memref_slice %arg9[%dma_wait3A_133] : memref<5x!tpu.dma_semaphore, #tpu.memory_space<semaphore_mem>> -> memref<1x!tpu.dma_semaphore, #tpu.memory_space<semaphore_mem>>
    %dma_wait3A_141 = tpu.memref_squeeze %dma_wait3A_140 : memref<1x!tpu.dma_semaphore, #tpu.memory_space<semaphore_mem>> -> memref<!tpu.dma_semaphore, #tpu.memory_space<semaphore_mem>>
    %dma_wait3A_142 = arith.constant 0 : i32
    %dma_wait3A_143 = tpu.memref_slice %arg4[%add3A_131, %dma_wait3A_142] : memref<819200x128xf32, #tpu.memory_space<hbm>> -> memref<128x128xf32, #tpu.memory_space<hbm>>
    %dma_wait3A_144 = arith.constant 0 : i32
    %dma_wait3A_145 = arith.constant 0 : i32
    %dma_wait3A_146 = tpu.memref_slice %arg7[%dma_wait3A_132, %dma_wait3A_144, %dma_wait3A_145] : memref<5x128x128xf32, #tpu.memory_space<vmem>> -> memref<1x128x128xf32, #tpu.memory_space<vmem>>
    %dma_wait3A_147 = tpu.memref_squeeze %dma_wait3A_146 : memref<1x128x128xf32, #tpu.memory_space<vmem>> -> memref<128x128xf32, #tpu.memory_space<vmem>>
    tpu.wait_dma2 semaphore(%dma_wait3A_141 : memref<!tpu.dma_semaphore, #tpu.memory_space<semaphore_mem>>) src(%dma_wait3A_147 : memref<128x128xf32, #tpu.memory_space<vmem>>) dst(%dma_wait3A_143 : memref<128x128xf32, #tpu.memory_space<hbm>>)
    %dma_start3A_148 = arith.constant 0 : i32
    %dma_start3A_149 = arith.constant 0 : i32
    %dma_start3A_150 = arith.constant 0 : i32
    %dma_start3A_151 = arith.constant 0 : i32
    %dma_start3A_152 = tpu.memref_slice %arg7[%dma_start3A_148, %dma_start3A_150, %dma_start3A_151] : memref<5x128x128xf32, #tpu.memory_space<vmem>> -> memref<1x128x128xf32, #tpu.memory_space<vmem>>
    %dma_start3A_153 = tpu.memref_squeeze %dma_start3A_152 : memref<1x128x128xf32, #tpu.memory_space<vmem>> -> memref<128x128xf32, #tpu.memory_space<vmem>>
    %dma_start3A_154 = arith.constant 640 : i32
    %dma_start3A_155 = tpu.memref_slice %arg6[%dma_start3A_154] : memref<25600xi32, #tpu.memory_space<vmem>> -> memref<128xi32, #tpu.memory_space<vmem>>
    %dma_start3A_156 = arith.constant 0 : i32
    %dma_start3A_157 = arith.constant 0 : i32
    %dma_start3A_158 = tpu.memref_slice %arg5[%dma_start3A_156, %dma_start3A_157] : memref<367x128xf32, #tpu.memory_space<vmem_shared>> -> memref<367x128xf32, #tpu.memory_space<vmem_shared>>
    %dma_start3A_159 = tpu.memref_slice %arg8[%dma_start3A_149] : memref<5x!tpu.dma_semaphore, #tpu.memory_space<semaphore_mem>> -> memref<1x!tpu.dma_semaphore, #tpu.memory_space<semaphore_mem>>
    %dma_start3A_160 = tpu.memref_squeeze %dma_start3A_159 : memref<1x!tpu.dma_semaphore, #tpu.memory_space<semaphore_mem>> -> memref<!tpu.dma_semaphore, #tpu.memory_space<semaphore_mem>>
    tpu.enqueue_indirect_dma source(%dma_start3A_158 : memref<367x128xf32, #tpu.memory_space<vmem_shared>>) target(%dma_start3A_153 : memref<128x128xf32, #tpu.memory_space<vmem>>) offsets(%dma_start3A_155 : memref<128xi32, #tpu.memory_space<vmem>>) semaphore(%dma_start3A_160 : memref<!tpu.dma_semaphore, #tpu.memory_space<semaphore_mem>>)
    %dma_wait3A_161 = arith.constant 2 : i32
    %dma_wait3A_162 = arith.constant 2 : i32
    %dma_wait3A_163 = arith.constant 0 : i32
    %dma_wait3A_164 = arith.constant 0 : i32
    %dma_wait3A_165 = tpu.memref_slice %arg7[%dma_wait3A_161, %dma_wait3A_163, %dma_wait3A_164] : memref<5x128x128xf32, #tpu.memory_space<vmem>> -> memref<1x128x128xf32, #tpu.memory_space<vmem>>
    %dma_wait3A_166 = tpu.memref_squeeze %dma_wait3A_165 : memref<1x128x128xf32, #tpu.memory_space<vmem>> -> memref<128x128xf32, #tpu.memory_space<vmem>>
    %dma_wait3A_167 = arith.constant 256 : i32
    %dma_wait3A_168 = tpu.memref_slice %arg6[%dma_wait3A_167] : memref<25600xi32, #tpu.memory_space<vmem>> -> memref<128xi32, #tpu.memory_space<vmem>>
    %dma_wait3A_169 = arith.constant 0 : i32
    %dma_wait3A_170 = arith.constant 0 : i32
    %dma_wait3A_171 = tpu.memref_slice %arg5[%dma_wait3A_169, %dma_wait3A_170] : memref<367x128xf32, #tpu.memory_space<vmem_shared>> -> memref<367x128xf32, #tpu.memory_space<vmem_shared>>
    %dma_wait3A_172 = tpu.memref_slice %arg8[%dma_wait3A_162] : memref<5x!tpu.dma_semaphore, #tpu.memory_space<semaphore_mem>> -> memref<1x!tpu.dma_semaphore, #tpu.memory_space<semaphore_mem>>
    %dma_wait3A_173 = tpu.memref_squeeze %dma_wait3A_172 : memref<1x!tpu.dma_semaphore, #tpu.memory_space<semaphore_mem>> -> memref<!tpu.dma_semaphore, #tpu.memory_space<semaphore_mem>>
    tpu.wait_indirect_dma semaphore(%dma_wait3A_173 : memref<!tpu.dma_semaphore, #tpu.memory_space<semaphore_mem>>) src(%dma_wait3A_171 : memref<367x128xf32, #tpu.memory_space<vmem_shared>>) dst(%dma_wait3A_166 : memref<128x128xf32, #tpu.memory_space<vmem>>)
    %add3A_174 = arith.constant 256 : i32
    %add3A_175 = arith.addi %mul3A_2, %add3A_174 : i32
    %dma_start3A_176 = arith.constant 2 : i32
    %dma_start3A_177 = arith.constant 2 : i32
    %dma_start3A_178 = arith.constant 0 : i32
    %dma_start3A_179 = arith.constant 0 : i32
    %dma_start3A_180 = tpu.memref_slice %arg7[%dma_start3A_176, %dma_start3A_178, %dma_start3A_179] : memref<5x128x128xf32, #tpu.memory_space<vmem>> -> memref<1x128x128xf32, #tpu.memory_space<vmem>>
    %dma_start3A_181 = tpu.memref_squeeze %dma_start3A_180 : memref<1x128x128xf32, #tpu.memory_space<vmem>> -> memref<128x128xf32, #tpu.memory_space<vmem>>
    %dma_start3A_182 = arith.constant 0 : i32
    %dma_start3A_183 = tpu.memref_slice %arg4[%add3A_175, %dma_start3A_182] : memref<819200x128xf32, #tpu.memory_space<hbm>> -> memref<128x128xf32, #tpu.memory_space<hbm>>
    %dma_start3A_184 = tpu.memref_slice %arg9[%dma_start3A_177] : memref<5x!tpu.dma_semaphore, #tpu.memory_space<semaphore_mem>> -> memref<1x!tpu.dma_semaphore, #tpu.memory_space<semaphore_mem>>
    %dma_start3A_185 = tpu.memref_squeeze %dma_start3A_184 : memref<1x!tpu.dma_semaphore, #tpu.memory_space<semaphore_mem>> -> memref<!tpu.dma_semaphore, #tpu.memory_space<semaphore_mem>>
    %dma_start3A_186 = arith.constant 0 : i32
    %dma_start3A_187 = tpu.memref_slice %arg4[%add3A_175, %dma_start3A_186] : memref<819200x128xf32, #tpu.memory_space<hbm>> -> memref<128x128xf32, #tpu.memory_space<hbm>>
    %dma_start3A_188 = arith.constant 0 : i32
    %dma_start3A_189 = arith.constant 0 : i32
    %dma_start3A_190 = tpu.memref_slice %arg7[%dma_start3A_176, %dma_start3A_188, %dma_start3A_189] : memref<5x128x128xf32, #tpu.memory_space<vmem>> -> memref<1x128x128xf32, #tpu.memory_space<vmem>>
    %dma_start3A_191 = tpu.memref_squeeze %dma_start3A_190 : memref<1x128x128xf32, #tpu.memory_space<vmem>> -> memref<128x128xf32, #tpu.memory_space<vmem>>
    tpu.enqueue_dma source(%dma_start3A_191 : memref<128x128xf32, #tpu.memory_space<vmem>>) target(%dma_start3A_187 : memref<128x128xf32, #tpu.memory_space<hbm>>) target_semaphore(%dma_start3A_185 : memref<!tpu.dma_semaphore, #tpu.memory_space<semaphore_mem>>)
    %add3A_192 = arith.constant 128 : i32
    %add3A_193 = arith.addi %mul3A_2, %add3A_192 : i32
    %dma_wait3A_194 = arith.constant 1 : i32
    %dma_wait3A_195 = arith.constant 1 : i32
    %dma_wait3A_196 = arith.constant 0 : i32
    %dma_wait3A_197 = arith.constant 0 : i32
    %dma_wait3A_198 = tpu.memref_slice %arg7[%dma_wait3A_194, %dma_wait3A_196, %dma_wait3A_197] : memref<5x128x128xf32, #tpu.memory_space<vmem>> -> memref<1x128x128xf32, #tpu.memory_space<vmem>>
    %dma_wait3A_199 = tpu.memref_squeeze %dma_wait3A_198 : memref<1x128x128xf32, #tpu.memory_space<vmem>> -> memref<128x128xf32, #tpu.memory_space<vmem>>
    %dma_wait3A_200 = arith.constant 0 : i32
    %dma_wait3A_201 = tpu.memref_slice %arg4[%add3A_193, %dma_wait3A_200] : memref<819200x128xf32, #tpu.memory_space<hbm>> -> memref<128x128xf32, #tpu.memory_space<hbm>>
    %dma_wait3A_202 = tpu.memref_slice %arg9[%dma_wait3A_195] : memref<5x!tpu.dma_semaphore, #tpu.memory_space<semaphore_mem>> -> memref<1x!tpu.dma_semaphore, #tpu.memory_space<semaphore_mem>>
    %dma_wait3A_203 = tpu.memref_squeeze %dma_wait3A_202 : memref<1x!tpu.dma_semaphore, #tpu.memory_space<semaphore_mem>> -> memref<!tpu.dma_semaphore, #tpu.memory_space<semaphore_mem>>
    %dma_wait3A_204 = arith.constant 0 : i32
    %dma_wait3A_205 = tpu.memref_slice %arg4[%add3A_193, %dma_wait3A_204] : memref<819200x128xf32, #tpu.memory_space<hbm>> -> memref<128x128xf32, #tpu.memory_space<hbm>>
    %dma_wait3A_206 = arith.constant 0 : i32
    %dma_wait3A_207 = arith.constant 0 : i32
    %dma_wait3A_208 = tpu.memref_slice %arg7[%dma_wait3A_194, %dma_wait3A_206, %dma_wait3A_207] : memref<5x128x128xf32, #tpu.memory_space<vmem>> -> memref<1x128x128xf32, #tpu.memory_space<vmem>>
    %dma_wait3A_209 = tpu.memref_squeeze %dma_wait3A_208 : memref<1x128x128xf32, #tpu.memory_space<vmem>> -> memref<128x128xf32, #tpu.memory_space<vmem>>
    tpu.wait_dma2 semaphore(%dma_wait3A_203 : memref<!tpu.dma_semaphore, #tpu.memory_space<semaphore_mem>>) src(%dma_wait3A_209 : memref<128x128xf32, #tpu.memory_space<vmem>>) dst(%dma_wait3A_205 : memref<128x128xf32, #tpu.memory_space<hbm>>)
    %dma_start3A_210 = arith.constant 1 : i32
    %dma_start3A_211 = arith.constant 1 : i32
    %dma_start3A_212 = arith.constant 0 : i32
    %dma_start3A_213 = arith.constant 0 : i32
    %dma_start3A_214 = tpu.memref_slice %arg7[%dma_start3A_210, %dma_start3A_212, %dma_start3A_213] : memref<5x128x128xf32, #tpu.memory_space<vmem>> -> memref<1x128x128xf32, #tpu.memory_space<vmem>>
    %dma_start3A_215 = tpu.memref_squeeze %dma_start3A_214 : memref<1x128x128xf32, #tpu.memory_space<vmem>> -> memref<128x128xf32, #tpu.memory_space<vmem>>
    %dma_start3A_216 = arith.constant 768 : i32
    %dma_start3A_217 = tpu.memref_slice %arg6[%dma_start3A_216] : memref<25600xi32, #tpu.memory_space<vmem>> -> memref<128xi32, #tpu.memory_space<vmem>>
    %dma_start3A_218 = arith.constant 0 : i32
    %dma_start3A_219 = arith.constant 0 : i32
    %dma_start3A_220 = tpu.memref_slice %arg5[%dma_start3A_218, %dma_start3A_219] : memref<367x128xf32, #tpu.memory_space<vmem_shared>> -> memref<367x128xf32, #tpu.memory_space<vmem_shared>>
    %dma_start3A_221 = tpu.memref_slice %arg8[%dma_start3A_211] : memref<5x!tpu.dma_semaphore, #tpu.memory_space<semaphore_mem>> -> memref<1x!tpu.dma_semaphore, #tpu.memory_space<semaphore_mem>>
    %dma_start3A_222 = tpu.memref_squeeze %dma_start3A_221 : memref<1x!tpu.dma_semaphore, #tpu.memory_space<semaphore_mem>> -> memref<!tpu.dma_semaphore, #tpu.memory_space<semaphore_mem>>
    tpu.enqueue_indirect_dma source(%dma_start3A_220 : memref<367x128xf32, #tpu.memory_space<vmem_shared>>) target(%dma_start3A_215 : memref<128x128xf32, #tpu.memory_space<vmem>>) offsets(%dma_start3A_217 : memref<128xi32, #tpu.memory_space<vmem>>) semaphore(%dma_start3A_222 : memref<!tpu.dma_semaphore, #tpu.memory_space<semaphore_mem>>)
    %dma_wait3A_223 = arith.constant 3 : i32
    %dma_wait3A_224 = arith.constant 3 : i32
    %dma_wait3A_225 = arith.constant 0 : i32
    %dma_wait3A_226 = arith.constant 0 : i32
    %dma_wait3A_227 = tpu.memref_slice %arg7[%dma_wait3A_223, %dma_wait3A_225, %dma_wait3A_226] : memref<5x128x128xf32, #tpu.memory_space<vmem>> -> memref<1x128x128xf32, #tpu.memory_space<vmem>>
    %dma_wait3A_228 = tpu.memref_squeeze %dma_wait3A_227 : memref<1x128x128xf32, #tpu.memory_space<vmem>> -> memref<128x128xf32, #tpu.memory_space<vmem>>
    %dma_wait3A_229 = arith.constant 384 : i32
    %dma_wait3A_230 = tpu.memref_slice %arg6[%dma_wait3A_229] : memref<25600xi32, #tpu.memory_space<vmem>> -> memref<128xi32, #tpu.memory_space<vmem>>
    %dma_wait3A_231 = arith.constant 0 : i32
    %dma_wait3A_232 = arith.constant 0 : i32
    %dma_wait3A_233 = tpu.memref_slice %arg5[%dma_wait3A_231, %dma_wait3A_232] : memref<367x128xf32, #tpu.memory_space<vmem_shared>> -> memref<367x128xf32, #tpu.memory_space<vmem_shared>>
    %dma_wait3A_234 = tpu.memref_slice %arg8[%dma_wait3A_224] : memref<5x!tpu.dma_semaphore, #tpu.memory_space<semaphore_mem>> -> memref<1x!tpu.dma_semaphore, #tpu.memory_space<semaphore_mem>>
    %dma_wait3A_235 = tpu.memref_squeeze %dma_wait3A_234 : memref<1x!tpu.dma_semaphore, #tpu.memory_space<semaphore_mem>> -> memref<!tpu.dma_semaphore, #tpu.memory_space<semaphore_mem>>
    tpu.wait_indirect_dma semaphore(%dma_wait3A_235 : memref<!tpu.dma_semaphore, #tpu.memory_space<semaphore_mem>>) src(%dma_wait3A_233 : memref<367x128xf32, #tpu.memory_space<vmem_shared>>) dst(%dma_wait3A_228 : memref<128x128xf32, #tpu.memory_space<vmem>>)
    %add3A_236 = arith.constant 384 : i32
    %add3A_237 = arith.addi %mul3A_2, %add3A_236 : i32
    %dma_start3A_238 = arith.constant 3 : i32
    %dma_start3A_239 = arith.constant 3 : i32
    %dma_start3A_240 = arith.constant 0 : i32
    %dma_start3A_241 = arith.constant 0 : i32
    %dma_start3A_242 = tpu.memref_slice %arg7[%dma_start3A_238, %dma_start3A_240, %dma_start3A_241] : memref<5x128x128xf32, #tpu.memory_space<vmem>> -> memref<1x128x128xf32, #tpu.memory_space<vmem>>
    %dma_start3A_243 = tpu.memref_squeeze %dma_start3A_242 : memref<1x128x128xf32, #tpu.memory_space<vmem>> -> memref<128x128xf32, #tpu.memory_space<vmem>>
    %dma_start3A_244 = arith.constant 0 : i32
    %dma_start3A_245 = tpu.memref_slice %arg4[%add3A_237, %dma_start3A_244] : memref<819200x128xf32, #tpu.memory_space<hbm>> -> memref<128x128xf32, #tpu.memory_space<hbm>>
    %dma_start3A_246 = tpu.memref_slice %arg9[%dma_start3A_239] : memref<5x!tpu.dma_semaphore, #tpu.memory_space<semaphore_mem>> -> memref<1x!tpu.dma_semaphore, #tpu.memory_space<semaphore_mem>>
    %dma_start3A_247 = tpu.memref_squeeze %dma_start3A_246 : memref<1x!tpu.dma_semaphore, #tpu.memory_space<semaphore_mem>> -> memref<!tpu.dma_semaphore, #tpu.memory_space<semaphore_mem>>
    %dma_start3A_248 = arith.constant 0 : i32
    %dma_start3A_249 = tpu.memref_slice %arg4[%add3A_237, %dma_start3A_248] : memref<819200x128xf32, #tpu.memory_space<hbm>> -> memref<128x128xf32, #tpu.memory_space<hbm>>
    %dma_start3A_250 = arith.constant 0 : i32
    %dma_start3A_251 = arith.constant 0 : i32
    %dma_start3A_252 = tpu.memref_slice %arg7[%dma_start3A_238, %dma_start3A_250, %dma_start3A_251] : memref<5x128x128xf32, #tpu.memory_space<vmem>> -> memref<1x128x128xf32, #tpu.memory_space<vmem>>
    %dma_start3A_253 = tpu.memref_squeeze %dma_start3A_252 : memref<1x128x128xf32, #tpu.memory_space<vmem>> -> memref<128x128xf32, #tpu.memory_space<vmem>>
    tpu.enqueue_dma source(%dma_start3A_253 : memref<128x128xf32, #tpu.memory_space<vmem>>) target(%dma_start3A_249 : memref<128x128xf32, #tpu.memory_space<hbm>>) target_semaphore(%dma_start3A_247 : memref<!tpu.dma_semaphore, #tpu.memory_space<semaphore_mem>>)
    %add3A_254 = arith.constant 256 : i32
    %add3A_255 = arith.addi %mul3A_2, %add3A_254 : i32
    %dma_wait3A_256 = arith.constant 2 : i32
    %dma_wait3A_257 = arith.constant 2 : i32
    %dma_wait3A_258 = arith.constant 0 : i32
    %dma_wait3A_259 = arith.constant 0 : i32
    %dma_wait3A_260 = tpu.memref_slice %arg7[%dma_wait3A_256, %dma_wait3A_258, %dma_wait3A_259] : memref<5x128x128xf32, #tpu.memory_space<vmem>> -> memref<1x128x128xf32, #tpu.memory_space<vmem>>
    %dma_wait3A_261 = tpu.memref_squeeze %dma_wait3A_260 : memref<1x128x128xf32, #tpu.memory_space<vmem>> -> memref<128x128xf32, #tpu.memory_space<vmem>>
    %dma_wait3A_262 = arith.constant 0 : i32
    %dma_wait3A_263 = tpu.memref_slice %arg4[%add3A_255, %dma_wait3A_262] : memref<819200x128xf32, #tpu.memory_space<hbm>> -> memref<128x128xf32, #tpu.memory_space<hbm>>
    %dma_wait3A_264 = tpu.memref_slice %arg9[%dma_wait3A_257] : memref<5x!tpu.dma_semaphore, #tpu.memory_space<semaphore_mem>> -> memref<1x!tpu.dma_semaphore, #tpu.memory_space<semaphore_mem>>
    %dma_wait3A_265 = tpu.memref_squeeze %dma_wait3A_264 : memref<1x!tpu.dma_semaphore, #tpu.memory_space<semaphore_mem>> -> memref<!tpu.dma_semaphore, #tpu.memory_space<semaphore_mem>>
    %dma_wait3A_266 = arith.constant 0 : i32
    %dma_wait3A_267 = tpu.memref_slice %arg4[%add3A_255, %dma_wait3A_266] : memref<819200x128xf32, #tpu.memory_space<hbm>> -> memref<128x128xf32, #tpu.memory_space<hbm>>
    %dma_wait3A_268 = arith.constant 0 : i32
    %dma_wait3A_269 = arith.constant 0 : i32
    %dma_wait3A_270 = tpu.memref_slice %arg7[%dma_wait3A_256, %dma_wait3A_268, %dma_wait3A_269] : memref<5x128x128xf32, #tpu.memory_space<vmem>> -> memref<1x128x128xf32, #tpu.memory_space<vmem>>
    %dma_wait3A_271 = tpu.memref_squeeze %dma_wait3A_270 : memref<1x128x128xf32, #tpu.memory_space<vmem>> -> memref<128x128xf32, #tpu.memory_space<vmem>>
    tpu.wait_dma2 semaphore(%dma_wait3A_265 : memref<!tpu.dma_semaphore, #tpu.memory_space<semaphore_mem>>) src(%dma_wait3A_271 : memref<128x128xf32, #tpu.memory_space<vmem>>) dst(%dma_wait3A_267 : memref<128x128xf32, #tpu.memory_space<hbm>>)
    %dma_start3A_272 = arith.constant 2 : i32
    %dma_start3A_273 = arith.constant 2 : i32
    %dma_start3A_274 = arith.constant 0 : i32
    %dma_start3A_275 = arith.constant 0 : i32
    %dma_start3A_276 = tpu.memref_slice %arg7[%dma_start3A_272, %dma_start3A_274, %dma_start3A_275] : memref<5x128x128xf32, #tpu.memory_space<vmem>> -> memref<1x128x128xf32, #tpu.memory_space<vmem>>
    %dma_start3A_277 = tpu.memref_squeeze %dma_start3A_276 : memref<1x128x128xf32, #tpu.memory_space<vmem>> -> memref<128x128xf32, #tpu.memory_space<vmem>>
    %dma_start3A_278 = arith.constant 896 : i32
    %dma_start3A_279 = tpu.memref_slice %arg6[%dma_start3A_278] : memref<25600xi32, #tpu.memory_space<vmem>> -> memref<128xi32, #tpu.memory_space<vmem>>
    %dma_start3A_280 = arith.constant 0 : i32
    %dma_start3A_281 = arith.constant 0 : i32
    %dma_start3A_282 = tpu.memref_slice %arg5[%dma_start3A_280, %dma_start3A_281] : memref<367x128xf32, #tpu.memory_space<vmem_shared>> -> memref<367x128xf32, #tpu.memory_space<vmem_shared>>
    %dma_start3A_283 = tpu.memref_slice %arg8[%dma_start3A_273] : memref<5x!tpu.dma_semaphore, #tpu.memory_space<semaphore_mem>> -> memref<1x!tpu.dma_semaphore, #tpu.memory_space<semaphore_mem>>
    %dma_start3A_284 = tpu.memref_squeeze %dma_start3A_283 : memref<1x!tpu.dma_semaphore, #tpu.memory_space<semaphore_mem>> -> memref<!tpu.dma_semaphore, #tpu.memory_space<semaphore_mem>>
    tpu.enqueue_indirect_dma source(%dma_start3A_282 : memref<367x128xf32, #tpu.memory_space<vmem_shared>>) target(%dma_start3A_277 : memref<128x128xf32, #tpu.memory_space<vmem>>) offsets(%dma_start3A_279 : memref<128xi32, #tpu.memory_space<vmem>>) semaphore(%dma_start3A_284 : memref<!tpu.dma_semaphore, #tpu.memory_space<semaphore_mem>>)
    %dma_wait3A_285 = arith.constant 4 : i32
    %dma_wait3A_286 = arith.constant 4 : i32
    %dma_wait3A_287 = arith.constant 0 : i32
    %dma_wait3A_288 = arith.constant 0 : i32
    %dma_wait3A_289 = tpu.memref_slice %arg7[%dma_wait3A_285, %dma_wait3A_287, %dma_wait3A_288] : memref<5x128x128xf32, #tpu.memory_space<vmem>> -> memref<1x128x128xf32, #tpu.memory_space<vmem>>
    %dma_wait3A_290 = tpu.memref_squeeze %dma_wait3A_289 : memref<1x128x128xf32, #tpu.memory_space<vmem>> -> memref<128x128xf32, #tpu.memory_space<vmem>>
    %dma_wait3A_291 = arith.constant 512 : i32
    %dma_wait3A_292 = tpu.memref_slice %arg6[%dma_wait3A_291] : memref<25600xi32, #tpu.memory_space<vmem>> -> memref<128xi32, #tpu.memory_space<vmem>>
    %dma_wait3A_293 = arith.constant 0 : i32
    %dma_wait3A_294 = arith.constant 0 : i32
    %dma_wait3A_295 = tpu.memref_slice %arg5[%dma_wait3A_293, %dma_wait3A_294] : memref<367x128xf32, #tpu.memory_space<vmem_shared>> -> memref<367x128xf32, #tpu.memory_space<vmem_shared>>
    %dma_wait3A_296 = tpu.memref_slice %arg8[%dma_wait3A_286] : memref<5x!tpu.dma_semaphore, #tpu.memory_space<semaphore_mem>> -> memref<1x!tpu.dma_semaphore, #tpu.memory_space<semaphore_mem>>
    %dma_wait3A_297 = tpu.memref_squeeze %dma_wait3A_296 : memref<1x!tpu.dma_semaphore, #tpu.memory_space<semaphore_mem>> -> memref<!tpu.dma_semaphore, #tpu.memory_space<semaphore_mem>>
    tpu.wait_indirect_dma semaphore(%dma_wait3A_297 : memref<!tpu.dma_semaphore, #tpu.memory_space<semaphore_mem>>) src(%dma_wait3A_295 : memref<367x128xf32, #tpu.memory_space<vmem_shared>>) dst(%dma_wait3A_290 : memref<128x128xf32, #tpu.memory_space<vmem>>)
    %add3A_298 = arith.constant 512 : i32
    %add3A_299 = arith.addi %mul3A_2, %add3A_298 : i32
    %dma_start3A_300 = arith.constant 4 : i32
    %dma_start3A_301 = arith.constant 4 : i32
    %dma_start3A_302 = arith.constant 0 : i32
    %dma_start3A_303 = arith.constant 0 : i32
    %dma_start3A_304 = tpu.memref_slice %arg7[%dma_start3A_300, %dma_start3A_302, %dma_start3A_303] : memref<5x128x128xf32, #tpu.memory_space<vmem>> -> memref<1x128x128xf32, #tpu.memory_space<vmem>>
    %dma_start3A_305 = tpu.memref_squeeze %dma_start3A_304 : memref<1x128x128xf32, #tpu.memory_space<vmem>> -> memref<128x128xf32, #tpu.memory_space<vmem>>
    %dma_start3A_306 = arith.constant 0 : i32
    %dma_start3A_307 = tpu.memref_slice %arg4[%add3A_299, %dma_start3A_306] : memref<819200x128xf32, #tpu.memory_space<hbm>> -> memref<128x128xf32, #tpu.memory_space<hbm>>
    %dma_start3A_308 = tpu.memref_slice %arg9[%dma_start3A_301] : memref<5x!tpu.dma_semaphore, #tpu.memory_space<semaphore_mem>> -> memref<1x!tpu.dma_semaphore, #tpu.memory_space<semaphore_mem>>
    %dma_start3A_309 = tpu.memref_squeeze %dma_start3A_308 : memref<1x!tpu.dma_semaphore, #tpu.memory_space<semaphore_mem>> -> memref<!tpu.dma_semaphore, #tpu.memory_space<semaphore_mem>>
    %dma_start3A_310 = arith.constant 0 : i32
    %dma_start3A_311 = tpu.memref_slice %arg4[%add3A_299, %dma_start3A_310] : memref<819200x128xf32, #tpu.memory_space<hbm>> -> memref<128x128xf32, #tpu.memory_space<hbm>>
    %dma_start3A_312 = arith.constant 0 : i32
    %dma_start3A_313 = arith.constant 0 : i32
    %dma_start3A_314 = tpu.memref_slice %arg7[%dma_start3A_300, %dma_start3A_312, %dma_start3A_313] : memref<5x128x128xf32, #tpu.memory_space<vmem>> -> memref<1x128x128xf32, #tpu.memory_space<vmem>>
    %dma_start3A_315 = tpu.memref_squeeze %dma_start3A_314 : memref<1x128x128xf32, #tpu.memory_space<vmem>> -> memref<128x128xf32, #tpu.memory_space<vmem>>
    tpu.enqueue_dma source(%dma_start3A_315 : memref<128x128xf32, #tpu.memory_space<vmem>>) target(%dma_start3A_311 : memref<128x128xf32, #tpu.memory_space<hbm>>) target_semaphore(%dma_start3A_309 : memref<!tpu.dma_semaphore, #tpu.memory_space<semaphore_mem>>)
    %add3A_316 = arith.constant 384 : i32
    %add3A_317 = arith.addi %mul3A_2, %add3A_316 : i32
    %dma_wait3A_318 = arith.constant 3 : i32
    %dma_wait3A_319 = arith.constant 3 : i32
    %dma_wait3A_320 = arith.constant 0 : i32
    %dma_wait3A_321 = arith.constant 0 : i32
    %dma_wait3A_322 = tpu.memref_slice %arg7[%dma_wait3A_318, %dma_wait3A_320, %dma_wait3A_321] : memref<5x128x128xf32, #tpu.memory_space<vmem>> -> memref<1x128x128xf32, #tpu.memory_space<vmem>>
    %dma_wait3A_323 = tpu.memref_squeeze %dma_wait3A_322 : memref<1x128x128xf32, #tpu.memory_space<vmem>> -> memref<128x128xf32, #tpu.memory_space<vmem>>
    %dma_wait3A_324 = arith.constant 0 : i32
    %dma_wait3A_325 = tpu.memref_slice %arg4[%add3A_317, %dma_wait3A_324] : memref<819200x128xf32, #tpu.memory_space<hbm>> -> memref<128x128xf32, #tpu.memory_space<hbm>>
    %dma_wait3A_326 = tpu.memref_slice %arg9[%dma_wait3A_319] : memref<5x!tpu.dma_semaphore, #tpu.memory_space<semaphore_mem>> -> memref<1x!tpu.dma_semaphore, #tpu.memory_space<semaphore_mem>>
    %dma_wait3A_327 = tpu.memref_squeeze %dma_wait3A_326 : memref<1x!tpu.dma_semaphore, #tpu.memory_space<semaphore_mem>> -> memref<!tpu.dma_semaphore, #tpu.memory_space<semaphore_mem>>
    %dma_wait3A_328 = arith.constant 0 : i32
    %dma_wait3A_329 = tpu.memref_slice %arg4[%add3A_317, %dma_wait3A_328] : memref<819200x128xf32, #tpu.memory_space<hbm>> -> memref<128x128xf32, #tpu.memory_space<hbm>>
    %dma_wait3A_330 = arith.constant 0 : i32
    %dma_wait3A_331 = arith.constant 0 : i32
    %dma_wait3A_332 = tpu.memref_slice %arg7[%dma_wait3A_318, %dma_wait3A_330, %dma_wait3A_331] : memref<5x128x128xf32, #tpu.memory_space<vmem>> -> memref<1x128x128xf32, #tpu.memory_space<vmem>>
    %dma_wait3A_333 = tpu.memref_squeeze %dma_wait3A_332 : memref<1x128x128xf32, #tpu.memory_space<vmem>> -> memref<128x128xf32, #tpu.memory_space<vmem>>
    tpu.wait_dma2 semaphore(%dma_wait3A_327 : memref<!tpu.dma_semaphore, #tpu.memory_space<semaphore_mem>>) src(%dma_wait3A_333 : memref<128x128xf32, #tpu.memory_space<vmem>>) dst(%dma_wait3A_329 : memref<128x128xf32, #tpu.memory_space<hbm>>)
    %dma_start3A_334 = arith.constant 3 : i32
    %dma_start3A_335 = arith.constant 3 : i32
    %dma_start3A_336 = arith.constant 0 : i32
    %dma_start3A_337 = arith.constant 0 : i32
    %dma_start3A_338 = tpu.memref_slice %arg7[%dma_start3A_334, %dma_start3A_336, %dma_start3A_337] : memref<5x128x128xf32, #tpu.memory_space<vmem>> -> memref<1x128x128xf32, #tpu.memory_space<vmem>>
    %dma_start3A_339 = tpu.memref_squeeze %dma_start3A_338 : memref<1x128x128xf32, #tpu.memory_space<vmem>> -> memref<128x128xf32, #tpu.memory_space<vmem>>
    %dma_start3A_340 = arith.constant 1024 : i32
    %dma_start3A_341 = tpu.memref_slice %arg6[%dma_start3A_340] : memref<25600xi32, #tpu.memory_space<vmem>> -> memref<128xi32, #tpu.memory_space<vmem>>
    %dma_start3A_342 = arith.constant 0 : i32
    %dma_start3A_343 = arith.constant 0 : i32
    %dma_start3A_344 = tpu.memref_slice %arg5[%dma_start3A_342, %dma_start3A_343] : memref<367x128xf32, #tpu.memory_space<vmem_shared>> -> memref<367x128xf32, #tpu.memory_space<vmem_shared>>
    %dma_start3A_345 = tpu.memref_slice %arg8[%dma_start3A_335] : memref<5x!tpu.dma_semaphore, #tpu.memory_space<semaphore_mem>> -> memref<1x!tpu.dma_semaphore, #tpu.memory_space<semaphore_mem>>
    %dma_start3A_346 = tpu.memref_squeeze %dma_start3A_345 : memref<1x!tpu.dma_semaphore, #tpu.memory_space<semaphore_mem>> -> memref<!tpu.dma_semaphore, #tpu.memory_space<semaphore_mem>>
    tpu.enqueue_indirect_dma source(%dma_start3A_344 : memref<367x128xf32, #tpu.memory_space<vmem_shared>>) target(%dma_start3A_339 : memref<128x128xf32, #tpu.memory_space<vmem>>) offsets(%dma_start3A_341 : memref<128xi32, #tpu.memory_space<vmem>>) semaphore(%dma_start3A_346 : memref<!tpu.dma_semaphore, #tpu.memory_space<semaphore_mem>>)
    %scan3A = arith.constant 0 : i32
    %scan3A_347 = arith.constant 1 : i32
    %scan3A_348 = arith.constant 38 : i32
    %scan3A_349 = arith.addi %scan3A_347, %scan3A_348 : i32
    %scan3A_350 = arith.constant 1 : i32
    scf.for %scan3A_628 = %scan3A_347 to %scan3A_349 step %scan3A_350  : i32 {
      %mul3A_629 = arith.constant 5 : i32
      %mul3A_630 = arith.muli %scan3A_628, %mul3A_629 : i32
      %add3A_631 = arith.constant 0 : i32
      %add3A_632 = arith.addi %mul3A_630, %add3A_631 : i32
      %mul3A_633 = arith.constant 128 : i32
      %mul3A_634 = arith.muli %add3A_632, %mul3A_633 : i32
      %dma_wait3A_635 = arith.constant 0 : i32
      %dma_wait3A_636 = arith.constant 0 : i32
      %dma_wait3A_637 = arith.constant 0 : i32
      %dma_wait3A_638 = arith.constant 0 : i32
      %dma_wait3A_639 = tpu.memref_slice %arg7[%dma_wait3A_635, %dma_wait3A_637, %dma_wait3A_638] : memref<5x128x128xf32, #tpu.memory_space<vmem>> -> memref<1x128x128xf32, #tpu.memory_space<vmem>>
      %dma_wait3A_640 = tpu.memref_squeeze %dma_wait3A_639 : memref<1x128x128xf32, #tpu.memory_space<vmem>> -> memref<128x128xf32, #tpu.memory_space<vmem>>
      %dma_wait3A_641 = tpu.memref_slice %arg6[%mul3A_634] : memref<25600xi32, #tpu.memory_space<vmem>> -> memref<128xi32, #tpu.memory_space<vmem>>
      %dma_wait3A_642 = arith.constant 0 : i32
      %dma_wait3A_643 = arith.constant 0 : i32
      %dma_wait3A_644 = tpu.memref_slice %arg5[%dma_wait3A_642, %dma_wait3A_643] : memref<367x128xf32, #tpu.memory_space<vmem_shared>> -> memref<367x128xf32, #tpu.memory_space<vmem_shared>>
      %dma_wait3A_645 = tpu.memref_slice %arg8[%dma_wait3A_636] : memref<5x!tpu.dma_semaphore, #tpu.memory_space<semaphore_mem>> -> memref<1x!tpu.dma_semaphore, #tpu.memory_space<semaphore_mem>>
      %dma_wait3A_646 = tpu.memref_squeeze %dma_wait3A_645 : memref<1x!tpu.dma_semaphore, #tpu.memory_space<semaphore_mem>> -> memref<!tpu.dma_semaphore, #tpu.memory_space<semaphore_mem>>
      tpu.wait_indirect_dma semaphore(%dma_wait3A_646 : memref<!tpu.dma_semaphore, #tpu.memory_space<semaphore_mem>>) src(%dma_wait3A_644 : memref<367x128xf32, #tpu.memory_space<vmem_shared>>) dst(%dma_wait3A_640 : memref<128x128xf32, #tpu.memory_space<vmem>>)
      %mul3A_647 = arith.constant 128 : i32
      %mul3A_648 = arith.muli %add3A_632, %mul3A_647 : i32
      %add3A_649 = arith.addi %mul3A_2, %mul3A_648 : i32
      %dma_start3A_650 = arith.constant 0 : i32
      %dma_start3A_651 = arith.constant 0 : i32
      %dma_start3A_652 = arith.constant 0 : i32
      %dma_start3A_653 = arith.constant 0 : i32
      %dma_start3A_654 = tpu.memref_slice %arg7[%dma_start3A_650, %dma_start3A_652, %dma_start3A_653] : memref<5x128x128xf32, #tpu.memory_space<vmem>> -> memref<1x128x128xf32, #tpu.memory_space<vmem>>
      %dma_start3A_655 = tpu.memref_squeeze %dma_start3A_654 : memref<1x128x128xf32, #tpu.memory_space<vmem>> -> memref<128x128xf32, #tpu.memory_space<vmem>>
      %dma_start3A_656 = arith.constant 0 : i32
      %dma_start3A_657 = tpu.memref_slice %arg4[%add3A_649, %dma_start3A_656] : memref<819200x128xf32, #tpu.memory_space<hbm>> -> memref<128x128xf32, #tpu.memory_space<hbm>>
      %dma_start3A_658 = tpu.memref_slice %arg9[%dma_start3A_651] : memref<5x!tpu.dma_semaphore, #tpu.memory_space<semaphore_mem>> -> memref<1x!tpu.dma_semaphore, #tpu.memory_space<semaphore_mem>>
      %dma_start3A_659 = tpu.memref_squeeze %dma_start3A_658 : memref<1x!tpu.dma_semaphore, #tpu.memory_space<semaphore_mem>> -> memref<!tpu.dma_semaphore, #tpu.memory_space<semaphore_mem>>
      %dma_start3A_660 = arith.constant 0 : i32
      %dma_start3A_661 = tpu.memref_slice %arg4[%add3A_649, %dma_start3A_660] : memref<819200x128xf32, #tpu.memory_space<hbm>> -> memref<128x128xf32, #tpu.memory_space<hbm>>
      %dma_start3A_662 = arith.constant 0 : i32
      %dma_start3A_663 = arith.constant 0 : i32
      %dma_start3A_664 = tpu.memref_slice %arg7[%dma_start3A_650, %dma_start3A_662, %dma_start3A_663] : memref<5x128x128xf32, #tpu.memory_space<vmem>> -> memref<1x128x128xf32, #tpu.memory_space<vmem>>
      %dma_start3A_665 = tpu.memref_squeeze %dma_start3A_664 : memref<1x128x128xf32, #tpu.memory_space<vmem>> -> memref<128x128xf32, #tpu.memory_space<vmem>>
      tpu.enqueue_dma source(%dma_start3A_665 : memref<128x128xf32, #tpu.memory_space<vmem>>) target(%dma_start3A_661 : memref<128x128xf32, #tpu.memory_space<hbm>>) target_semaphore(%dma_start3A_659 : memref<!tpu.dma_semaphore, #tpu.memory_space<semaphore_mem>>)
      %sub3A = arith.constant 1 : i32
      %sub3A_666 = arith.subi %add3A_632, %sub3A : i32
      %mul3A_667 = arith.constant 128 : i32
      %mul3A_668 = arith.muli %sub3A_666, %mul3A_667 : i32
      %add3A_669 = arith.addi %mul3A_2, %mul3A_668 : i32
      %dma_wait3A_670 = arith.constant 4 : i32
      %dma_wait3A_671 = arith.constant 4 : i32
      %dma_wait3A_672 = arith.constant 0 : i32
      %dma_wait3A_673 = arith.constant 0 : i32
      %dma_wait3A_674 = tpu.memref_slice %arg7[%dma_wait3A_670, %dma_wait3A_672, %dma_wait3A_673] : memref<5x128x128xf32, #tpu.memory_space<vmem>> -> memref<1x128x128xf32, #tpu.memory_space<vmem>>
      %dma_wait3A_675 = tpu.memref_squeeze %dma_wait3A_674 : memref<1x128x128xf32, #tpu.memory_space<vmem>> -> memref<128x128xf32, #tpu.memory_space<vmem>>
      %dma_wait3A_676 = arith.constant 0 : i32
      %dma_wait3A_677 = tpu.memref_slice %arg4[%add3A_669, %dma_wait3A_676] : memref<819200x128xf32, #tpu.memory_space<hbm>> -> memref<128x128xf32, #tpu.memory_space<hbm>>
      %dma_wait3A_678 = tpu.memref_slice %arg9[%dma_wait3A_671] : memref<5x!tpu.dma_semaphore, #tpu.memory_space<semaphore_mem>> -> memref<1x!tpu.dma_semaphore, #tpu.memory_space<semaphore_mem>>
      %dma_wait3A_679 = tpu.memref_squeeze %dma_wait3A_678 : memref<1x!tpu.dma_semaphore, #tpu.memory_space<semaphore_mem>> -> memref<!tpu.dma_semaphore, #tpu.memory_space<semaphore_mem>>
      %dma_wait3A_680 = arith.constant 0 : i32
      %dma_wait3A_681 = tpu.memref_slice %arg4[%add3A_669, %dma_wait3A_680] : memref<819200x128xf32, #tpu.memory_space<hbm>> -> memref<128x128xf32, #tpu.memory_space<hbm>>
      %dma_wait3A_682 = arith.constant 0 : i32
      %dma_wait3A_683 = arith.constant 0 : i32
      %dma_wait3A_684 = tpu.memref_slice %arg7[%dma_wait3A_670, %dma_wait3A_682, %dma_wait3A_683] : memref<5x128x128xf32, #tpu.memory_space<vmem>> -> memref<1x128x128xf32, #tpu.memory_space<vmem>>
      %dma_wait3A_685 = tpu.memref_squeeze %dma_wait3A_684 : memref<1x128x128xf32, #tpu.memory_space<vmem>> -> memref<128x128xf32, #tpu.memory_space<vmem>>
      tpu.wait_dma2 semaphore(%dma_wait3A_679 : memref<!tpu.dma_semaphore, #tpu.memory_space<semaphore_mem>>) src(%dma_wait3A_685 : memref<128x128xf32, #tpu.memory_space<vmem>>) dst(%dma_wait3A_681 : memref<128x128xf32, #tpu.memory_space<hbm>>)
      %add3A_686 = arith.constant 4 : i32
      %add3A_687 = arith.addi %add3A_632, %add3A_686 : i32
      %mul3A_688 = arith.constant 128 : i32
      %mul3A_689 = arith.muli %add3A_687, %mul3A_688 : i32
      %dma_start3A_690 = arith.constant 4 : i32
      %dma_start3A_691 = arith.constant 4 : i32
      %dma_start3A_692 = arith.constant 0 : i32
      %dma_start3A_693 = arith.constant 0 : i32
      %dma_start3A_694 = tpu.memref_slice %arg7[%dma_start3A_690, %dma_start3A_692, %dma_start3A_693] : memref<5x128x128xf32, #tpu.memory_space<vmem>> -> memref<1x128x128xf32, #tpu.memory_space<vmem>>
      %dma_start3A_695 = tpu.memref_squeeze %dma_start3A_694 : memref<1x128x128xf32, #tpu.memory_space<vmem>> -> memref<128x128xf32, #tpu.memory_space<vmem>>
      %dma_start3A_696 = tpu.memref_slice %arg6[%mul3A_689] : memref<25600xi32, #tpu.memory_space<vmem>> -> memref<128xi32, #tpu.memory_space<vmem>>
      %dma_start3A_697 = arith.constant 0 : i32
      %dma_start3A_698 = arith.constant 0 : i32
      %dma_start3A_699 = tpu.memref_slice %arg5[%dma_start3A_697, %dma_start3A_698] : memref<367x128xf32, #tpu.memory_space<vmem_shared>> -> memref<367x128xf32, #tpu.memory_space<vmem_shared>>
      %dma_start3A_700 = tpu.memref_slice %arg8[%dma_start3A_691] : memref<5x!tpu.dma_semaphore, #tpu.memory_space<semaphore_mem>> -> memref<1x!tpu.dma_semaphore, #tpu.memory_space<semaphore_mem>>
      %dma_start3A_701 = tpu.memref_squeeze %dma_start3A_700 : memref<1x!tpu.dma_semaphore, #tpu.memory_space<semaphore_mem>> -> memref<!tpu.dma_semaphore, #tpu.memory_space<semaphore_mem>>
      tpu.enqueue_indirect_dma source(%dma_start3A_699 : memref<367x128xf32, #tpu.memory_space<vmem_shared>>) target(%dma_start3A_695 : memref<128x128xf32, #tpu.memory_space<vmem>>) offsets(%dma_start3A_696 : memref<128xi32, #tpu.memory_space<vmem>>) semaphore(%dma_start3A_701 : memref<!tpu.dma_semaphore, #tpu.memory_space<semaphore_mem>>)
      %mul3A_702 = arith.constant 5 : i32
      %mul3A_703 = arith.muli %scan3A_628, %mul3A_702 : i32
      %add3A_704 = arith.constant 1 : i32
      %add3A_705 = arith.addi %mul3A_703, %add3A_704 : i32
      %mul3A_706 = arith.constant 128 : i32
      %mul3A_707 = arith.muli %add3A_705, %mul3A_706 : i32
      %dma_wait3A_708 = arith.constant 1 : i32
      %dma_wait3A_709 = arith.constant 1 : i32
      %dma_wait3A_710 = arith.constant 0 : i32
      %dma_wait3A_711 = arith.constant 0 : i32
      %dma_wait3A_712 = tpu.memref_slice %arg7[%dma_wait3A_708, %dma_wait3A_710, %dma_wait3A_711] : memref<5x128x128xf32, #tpu.memory_space<vmem>> -> memref<1x128x128xf32, #tpu.memory_space<vmem>>
      %dma_wait3A_713 = tpu.memref_squeeze %dma_wait3A_712 : memref<1x128x128xf32, #tpu.memory_space<vmem>> -> memref<128x128xf32, #tpu.memory_space<vmem>>
      %dma_wait3A_714 = tpu.memref_slice %arg6[%mul3A_707] : memref<25600xi32, #tpu.memory_space<vmem>> -> memref<128xi32, #tpu.memory_space<vmem>>
      %dma_wait3A_715 = arith.constant 0 : i32
      %dma_wait3A_716 = arith.constant 0 : i32
      %dma_wait3A_717 = tpu.memref_slice %arg5[%dma_wait3A_715, %dma_wait3A_716] : memref<367x128xf32, #tpu.memory_space<vmem_shared>> -> memref<367x128xf32, #tpu.memory_space<vmem_shared>>
      %dma_wait3A_718 = tpu.memref_slice %arg8[%dma_wait3A_709] : memref<5x!tpu.dma_semaphore, #tpu.memory_space<semaphore_mem>> -> memref<1x!tpu.dma_semaphore, #tpu.memory_space<semaphore_mem>>
      %dma_wait3A_719 = tpu.memref_squeeze %dma_wait3A_718 : memref<1x!tpu.dma_semaphore, #tpu.memory_space<semaphore_mem>> -> memref<!tpu.dma_semaphore, #tpu.memory_space<semaphore_mem>>
      tpu.wait_indirect_dma semaphore(%dma_wait3A_719 : memref<!tpu.dma_semaphore, #tpu.memory_space<semaphore_mem>>) src(%dma_wait3A_717 : memref<367x128xf32, #tpu.memory_space<vmem_shared>>) dst(%dma_wait3A_713 : memref<128x128xf32, #tpu.memory_space<vmem>>)
      %mul3A_720 = arith.constant 128 : i32
      %mul3A_721 = arith.muli %add3A_705, %mul3A_720 : i32
      %add3A_722 = arith.addi %mul3A_2, %mul3A_721 : i32
      %dma_start3A_723 = arith.constant 1 : i32
      %dma_start3A_724 = arith.constant 1 : i32
      %dma_start3A_725 = arith.constant 0 : i32
      %dma_start3A_726 = arith.constant 0 : i32
      %dma_start3A_727 = tpu.memref_slice %arg7[%dma_start3A_723, %dma_start3A_725, %dma_start3A_726] : memref<5x128x128xf32, #tpu.memory_space<vmem>> -> memref<1x128x128xf32, #tpu.memory_space<vmem>>
      %dma_start3A_728 = tpu.memref_squeeze %dma_start3A_727 : memref<1x128x128xf32, #tpu.memory_space<vmem>> -> memref<128x128xf32, #tpu.memory_space<vmem>>
      %dma_start3A_729 = arith.constant 0 : i32
      %dma_start3A_730 = tpu.memref_slice %arg4[%add3A_722, %dma_start3A_729] : memref<819200x128xf32, #tpu.memory_space<hbm>> -> memref<128x128xf32, #tpu.memory_space<hbm>>
      %dma_start3A_731 = tpu.memref_slice %arg9[%dma_start3A_724] : memref<5x!tpu.dma_semaphore, #tpu.memory_space<semaphore_mem>> -> memref<1x!tpu.dma_semaphore, #tpu.memory_space<semaphore_mem>>
      %dma_start3A_732 = tpu.memref_squeeze %dma_start3A_731 : memref<1x!tpu.dma_semaphore, #tpu.memory_space<semaphore_mem>> -> memref<!tpu.dma_semaphore, #tpu.memory_space<semaphore_mem>>
      %dma_start3A_733 = arith.constant 0 : i32
      %dma_start3A_734 = tpu.memref_slice %arg4[%add3A_722, %dma_start3A_733] : memref<819200x128xf32, #tpu.memory_space<hbm>> -> memref<128x128xf32, #tpu.memory_space<hbm>>
      %dma_start3A_735 = arith.constant 0 : i32
      %dma_start3A_736 = arith.constant 0 : i32
      %dma_start3A_737 = tpu.memref_slice %arg7[%dma_start3A_723, %dma_start3A_735, %dma_start3A_736] : memref<5x128x128xf32, #tpu.memory_space<vmem>> -> memref<1x128x128xf32, #tpu.memory_space<vmem>>
      %dma_start3A_738 = tpu.memref_squeeze %dma_start3A_737 : memref<1x128x128xf32, #tpu.memory_space<vmem>> -> memref<128x128xf32, #tpu.memory_space<vmem>>
      tpu.enqueue_dma source(%dma_start3A_738 : memref<128x128xf32, #tpu.memory_space<vmem>>) target(%dma_start3A_734 : memref<128x128xf32, #tpu.memory_space<hbm>>) target_semaphore(%dma_start3A_732 : memref<!tpu.dma_semaphore, #tpu.memory_space<semaphore_mem>>)
      %sub3A_739 = arith.constant 1 : i32
      %sub3A_740 = arith.subi %add3A_705, %sub3A_739 : i32
      %mul3A_741 = arith.constant 128 : i32
      %mul3A_742 = arith.muli %sub3A_740, %mul3A_741 : i32
      %add3A_743 = arith.addi %mul3A_2, %mul3A_742 : i32
      %dma_wait3A_744 = arith.constant 0 : i32
      %dma_wait3A_745 = arith.constant 0 : i32
      %dma_wait3A_746 = arith.constant 0 : i32
      %dma_wait3A_747 = arith.constant 0 : i32
      %dma_wait3A_748 = tpu.memref_slice %arg7[%dma_wait3A_744, %dma_wait3A_746, %dma_wait3A_747] : memref<5x128x128xf32, #tpu.memory_space<vmem>> -> memref<1x128x128xf32, #tpu.memory_space<vmem>>
      %dma_wait3A_749 = tpu.memref_squeeze %dma_wait3A_748 : memref<1x128x128xf32, #tpu.memory_space<vmem>> -> memref<128x128xf32, #tpu.memory_space<vmem>>
      %dma_wait3A_750 = arith.constant 0 : i32
      %dma_wait3A_751 = tpu.memref_slice %arg4[%add3A_743, %dma_wait3A_750] : memref<819200x128xf32, #tpu.memory_space<hbm>> -> memref<128x128xf32, #tpu.memory_space<hbm>>
      %dma_wait3A_752 = tpu.memref_slice %arg9[%dma_wait3A_745] : memref<5x!tpu.dma_semaphore, #tpu.memory_space<semaphore_mem>> -> memref<1x!tpu.dma_semaphore, #tpu.memory_space<semaphore_mem>>
      %dma_wait3A_753 = tpu.memref_squeeze %dma_wait3A_752 : memref<1x!tpu.dma_semaphore, #tpu.memory_space<semaphore_mem>> -> memref<!tpu.dma_semaphore, #tpu.memory_space<semaphore_mem>>
      %dma_wait3A_754 = arith.constant 0 : i32
      %dma_wait3A_755 = tpu.memref_slice %arg4[%add3A_743, %dma_wait3A_754] : memref<819200x128xf32, #tpu.memory_space<hbm>> -> memref<128x128xf32, #tpu.memory_space<hbm>>
      %dma_wait3A_756 = arith.constant 0 : i32
      %dma_wait3A_757 = arith.constant 0 : i32
      %dma_wait3A_758 = tpu.memref_slice %arg7[%dma_wait3A_744, %dma_wait3A_756, %dma_wait3A_757] : memref<5x128x128xf32, #tpu.memory_space<vmem>> -> memref<1x128x128xf32, #tpu.memory_space<vmem>>
      %dma_wait3A_759 = tpu.memref_squeeze %dma_wait3A_758 : memref<1x128x128xf32, #tpu.memory_space<vmem>> -> memref<128x128xf32, #tpu.memory_space<vmem>>
      tpu.wait_dma2 semaphore(%dma_wait3A_753 : memref<!tpu.dma_semaphore, #tpu.memory_space<semaphore_mem>>) src(%dma_wait3A_759 : memref<128x128xf32, #tpu.memory_space<vmem>>) dst(%dma_wait3A_755 : memref<128x128xf32, #tpu.memory_space<hbm>>)
      %add3A_760 = arith.constant 4 : i32
      %add3A_761 = arith.addi %add3A_705, %add3A_760 : i32
      %mul3A_762 = arith.constant 128 : i32
      %mul3A_763 = arith.muli %add3A_761, %mul3A_762 : i32
      %dma_start3A_764 = arith.constant 0 : i32
      %dma_start3A_765 = arith.constant 0 : i32
      %dma_start3A_766 = arith.constant 0 : i32
      %dma_start3A_767 = arith.constant 0 : i32
      %dma_start3A_768 = tpu.memref_slice %arg7[%dma_start3A_764, %dma_start3A_766, %dma_start3A_767] : memref<5x128x128xf32, #tpu.memory_space<vmem>> -> memref<1x128x128xf32, #tpu.memory_space<vmem>>
      %dma_start3A_769 = tpu.memref_squeeze %dma_start3A_768 : memref<1x128x128xf32, #tpu.memory_space<vmem>> -> memref<128x128xf32, #tpu.memory_space<vmem>>
      %dma_start3A_770 = tpu.memref_slice %arg6[%mul3A_763] : memref<25600xi32, #tpu.memory_space<vmem>> -> memref<128xi32, #tpu.memory_space<vmem>>
      %dma_start3A_771 = arith.constant 0 : i32
      %dma_start3A_772 = arith.constant 0 : i32
      %dma_start3A_773 = tpu.memref_slice %arg5[%dma_start3A_771, %dma_start3A_772] : memref<367x128xf32, #tpu.memory_space<vmem_shared>> -> memref<367x128xf32, #tpu.memory_space<vmem_shared>>
      %dma_start3A_774 = tpu.memref_slice %arg8[%dma_start3A_765] : memref<5x!tpu.dma_semaphore, #tpu.memory_space<semaphore_mem>> -> memref<1x!tpu.dma_semaphore, #tpu.memory_space<semaphore_mem>>
      %dma_start3A_775 = tpu.memref_squeeze %dma_start3A_774 : memref<1x!tpu.dma_semaphore, #tpu.memory_space<semaphore_mem>> -> memref<!tpu.dma_semaphore, #tpu.memory_space<semaphore_mem>>
      tpu.enqueue_indirect_dma source(%dma_start3A_773 : memref<367x128xf32, #tpu.memory_space<vmem_shared>>) target(%dma_start3A_769 : memref<128x128xf32, #tpu.memory_space<vmem>>) offsets(%dma_start3A_770 : memref<128xi32, #tpu.memory_space<vmem>>) semaphore(%dma_start3A_775 : memref<!tpu.dma_semaphore, #tpu.memory_space<semaphore_mem>>)
      %mul3A_776 = arith.constant 5 : i32
      %mul3A_777 = arith.muli %scan3A_628, %mul3A_776 : i32
      %add3A_778 = arith.constant 2 : i32
      %add3A_779 = arith.addi %mul3A_777, %add3A_778 : i32
      %mul3A_780 = arith.constant 128 : i32
      %mul3A_781 = arith.muli %add3A_779, %mul3A_780 : i32
      %dma_wait3A_782 = arith.constant 2 : i32
      %dma_wait3A_783 = arith.constant 2 : i32
      %dma_wait3A_784 = arith.constant 0 : i32
      %dma_wait3A_785 = arith.constant 0 : i32
      %dma_wait3A_786 = tpu.memref_slice %arg7[%dma_wait3A_782, %dma_wait3A_784, %dma_wait3A_785] : memref<5x128x128xf32, #tpu.memory_space<vmem>> -> memref<1x128x128xf32, #tpu.memory_space<vmem>>
      %dma_wait3A_787 = tpu.memref_squeeze %dma_wait3A_786 : memref<1x128x128xf32, #tpu.memory_space<vmem>> -> memref<128x128xf32, #tpu.memory_space<vmem>>
      %dma_wait3A_788 = tpu.memref_slice %arg6[%mul3A_781] : memref<25600xi32, #tpu.memory_space<vmem>> -> memref<128xi32, #tpu.memory_space<vmem>>
      %dma_wait3A_789 = arith.constant 0 : i32
      %dma_wait3A_790 = arith.constant 0 : i32
      %dma_wait3A_791 = tpu.memref_slice %arg5[%dma_wait3A_789, %dma_wait3A_790] : memref<367x128xf32, #tpu.memory_space<vmem_shared>> -> memref<367x128xf32, #tpu.memory_space<vmem_shared>>
      %dma_wait3A_792 = tpu.memref_slice %arg8[%dma_wait3A_783] : memref<5x!tpu.dma_semaphore, #tpu.memory_space<semaphore_mem>> -> memref<1x!tpu.dma_semaphore, #tpu.memory_space<semaphore_mem>>
      %dma_wait3A_793 = tpu.memref_squeeze %dma_wait3A_792 : memref<1x!tpu.dma_semaphore, #tpu.memory_space<semaphore_mem>> -> memref<!tpu.dma_semaphore, #tpu.memory_space<semaphore_mem>>
      tpu.wait_indirect_dma semaphore(%dma_wait3A_793 : memref<!tpu.dma_semaphore, #tpu.memory_space<semaphore_mem>>) src(%dma_wait3A_791 : memref<367x128xf32, #tpu.memory_space<vmem_shared>>) dst(%dma_wait3A_787 : memref<128x128xf32, #tpu.memory_space<vmem>>)
      %mul3A_794 = arith.constant 128 : i32
      %mul3A_795 = arith.muli %add3A_779, %mul3A_794 : i32
      %add3A_796 = arith.addi %mul3A_2, %mul3A_795 : i32
      %dma_start3A_797 = arith.constant 2 : i32
      %dma_start3A_798 = arith.constant 2 : i32
      %dma_start3A_799 = arith.constant 0 : i32
      %dma_start3A_800 = arith.constant 0 : i32
      %dma_start3A_801 = tpu.memref_slice %arg7[%dma_start3A_797, %dma_start3A_799, %dma_start3A_800] : memref<5x128x128xf32, #tpu.memory_space<vmem>> -> memref<1x128x128xf32, #tpu.memory_space<vmem>>
      %dma_start3A_802 = tpu.memref_squeeze %dma_start3A_801 : memref<1x128x128xf32, #tpu.memory_space<vmem>> -> memref<128x128xf32, #tpu.memory_space<vmem>>
      %dma_start3A_803 = arith.constant 0 : i32
      %dma_start3A_804 = tpu.memref_slice %arg4[%add3A_796, %dma_start3A_803] : memref<819200x128xf32, #tpu.memory_space<hbm>> -> memref<128x128xf32, #tpu.memory_space<hbm>>
      %dma_start3A_805 = tpu.memref_slice %arg9[%dma_start3A_798] : memref<5x!tpu.dma_semaphore, #tpu.memory_space<semaphore_mem>> -> memref<1x!tpu.dma_semaphore, #tpu.memory_space<semaphore_mem>>
      %dma_start3A_806 = tpu.memref_squeeze %dma_start3A_805 : memref<1x!tpu.dma_semaphore, #tpu.memory_space<semaphore_mem>> -> memref<!tpu.dma_semaphore, #tpu.memory_space<semaphore_mem>>
      %dma_start3A_807 = arith.constant 0 : i32
      %dma_start3A_808 = tpu.memref_slice %arg4[%add3A_796, %dma_start3A_807] : memref<819200x128xf32, #tpu.memory_space<hbm>> -> memref<128x128xf32, #tpu.memory_space<hbm>>
      %dma_start3A_809 = arith.constant 0 : i32
      %dma_start3A_810 = arith.constant 0 : i32
      %dma_start3A_811 = tpu.memref_slice %arg7[%dma_start3A_797, %dma_start3A_809, %dma_start3A_810] : memref<5x128x128xf32, #tpu.memory_space<vmem>> -> memref<1x128x128xf32, #tpu.memory_space<vmem>>
      %dma_start3A_812 = tpu.memref_squeeze %dma_start3A_811 : memref<1x128x128xf32, #tpu.memory_space<vmem>> -> memref<128x128xf32, #tpu.memory_space<vmem>>
      tpu.enqueue_dma source(%dma_start3A_812 : memref<128x128xf32, #tpu.memory_space<vmem>>) target(%dma_start3A_808 : memref<128x128xf32, #tpu.memory_space<hbm>>) target_semaphore(%dma_start3A_806 : memref<!tpu.dma_semaphore, #tpu.memory_space<semaphore_mem>>)
      %sub3A_813 = arith.constant 1 : i32
      %sub3A_814 = arith.subi %add3A_779, %sub3A_813 : i32
      %mul3A_815 = arith.constant 128 : i32
      %mul3A_816 = arith.muli %sub3A_814, %mul3A_815 : i32
      %add3A_817 = arith.addi %mul3A_2, %mul3A_816 : i32
      %dma_wait3A_818 = arith.constant 1 : i32
      %dma_wait3A_819 = arith.constant 1 : i32
      %dma_wait3A_820 = arith.constant 0 : i32
      %dma_wait3A_821 = arith.constant 0 : i32
      %dma_wait3A_822 = tpu.memref_slice %arg7[%dma_wait3A_818, %dma_wait3A_820, %dma_wait3A_821] : memref<5x128x128xf32, #tpu.memory_space<vmem>> -> memref<1x128x128xf32, #tpu.memory_space<vmem>>
      %dma_wait3A_823 = tpu.memref_squeeze %dma_wait3A_822 : memref<1x128x128xf32, #tpu.memory_space<vmem>> -> memref<128x128xf32, #tpu.memory_space<vmem>>
      %dma_wait3A_824 = arith.constant 0 : i32
      %dma_wait3A_825 = tpu.memref_slice %arg4[%add3A_817, %dma_wait3A_824] : memref<819200x128xf32, #tpu.memory_space<hbm>> -> memref<128x128xf32, #tpu.memory_space<hbm>>
      %dma_wait3A_826 = tpu.memref_slice %arg9[%dma_wait3A_819] : memref<5x!tpu.dma_semaphore, #tpu.memory_space<semaphore_mem>> -> memref<1x!tpu.dma_semaphore, #tpu.memory_space<semaphore_mem>>
      %dma_wait3A_827 = tpu.memref_squeeze %dma_wait3A_826 : memref<1x!tpu.dma_semaphore, #tpu.memory_space<semaphore_mem>> -> memref<!tpu.dma_semaphore, #tpu.memory_space<semaphore_mem>>
      %dma_wait3A_828 = arith.constant 0 : i32
      %dma_wait3A_829 = tpu.memref_slice %arg4[%add3A_817, %dma_wait3A_828] : memref<819200x128xf32, #tpu.memory_space<hbm>> -> memref<128x128xf32, #tpu.memory_space<hbm>>
      %dma_wait3A_830 = arith.constant 0 : i32
      %dma_wait3A_831 = arith.constant 0 : i32
      %dma_wait3A_832 = tpu.memref_slice %arg7[%dma_wait3A_818, %dma_wait3A_830, %dma_wait3A_831] : memref<5x128x128xf32, #tpu.memory_space<vmem>> -> memref<1x128x128xf32, #tpu.memory_space<vmem>>
      %dma_wait3A_833 = tpu.memref_squeeze %dma_wait3A_832 : memref<1x128x128xf32, #tpu.memory_space<vmem>> -> memref<128x128xf32, #tpu.memory_space<vmem>>
      tpu.wait_dma2 semaphore(%dma_wait3A_827 : memref<!tpu.dma_semaphore, #tpu.memory_space<semaphore_mem>>) src(%dma_wait3A_833 : memref<128x128xf32, #tpu.memory_space<vmem>>) dst(%dma_wait3A_829 : memref<128x128xf32, #tpu.memory_space<hbm>>)
      %add3A_834 = arith.constant 4 : i32
      %add3A_835 = arith.addi %add3A_779, %add3A_834 : i32
      %mul3A_836 = arith.constant 128 : i32
      %mul3A_837 = arith.muli %add3A_835, %mul3A_836 : i32
      %dma_start3A_838 = arith.constant 1 : i32
      %dma_start3A_839 = arith.constant 1 : i32
      %dma_start3A_840 = arith.constant 0 : i32
      %dma_start3A_841 = arith.constant 0 : i32
      %dma_start3A_842 = tpu.memref_slice %arg7[%dma_start3A_838, %dma_start3A_840, %dma_start3A_841] : memref<5x128x128xf32, #tpu.memory_space<vmem>> -> memref<1x128x128xf32, #tpu.memory_space<vmem>>
      %dma_start3A_843 = tpu.memref_squeeze %dma_start3A_842 : memref<1x128x128xf32, #tpu.memory_space<vmem>> -> memref<128x128xf32, #tpu.memory_space<vmem>>
      %dma_start3A_844 = tpu.memref_slice %arg6[%mul3A_837] : memref<25600xi32, #tpu.memory_space<vmem>> -> memref<128xi32, #tpu.memory_space<vmem>>
      %dma_start3A_845 = arith.constant 0 : i32
      %dma_start3A_846 = arith.constant 0 : i32
      %dma_start3A_847 = tpu.memref_slice %arg5[%dma_start3A_845, %dma_start3A_846] : memref<367x128xf32, #tpu.memory_space<vmem_shared>> -> memref<367x128xf32, #tpu.memory_space<vmem_shared>>
      %dma_start3A_848 = tpu.memref_slice %arg8[%dma_start3A_839] : memref<5x!tpu.dma_semaphore, #tpu.memory_space<semaphore_mem>> -> memref<1x!tpu.dma_semaphore, #tpu.memory_space<semaphore_mem>>
      %dma_start3A_849 = tpu.memref_squeeze %dma_start3A_848 : memref<1x!tpu.dma_semaphore, #tpu.memory_space<semaphore_mem>> -> memref<!tpu.dma_semaphore, #tpu.memory_space<semaphore_mem>>
      tpu.enqueue_indirect_dma source(%dma_start3A_847 : memref<367x128xf32, #tpu.memory_space<vmem_shared>>) target(%dma_start3A_843 : memref<128x128xf32, #tpu.memory_space<vmem>>) offsets(%dma_start3A_844 : memref<128xi32, #tpu.memory_space<vmem>>) semaphore(%dma_start3A_849 : memref<!tpu.dma_semaphore, #tpu.memory_space<semaphore_mem>>)
      %mul3A_850 = arith.constant 5 : i32
      %mul3A_851 = arith.muli %scan3A_628, %mul3A_850 : i32
      %add3A_852 = arith.constant 3 : i32
      %add3A_853 = arith.addi %mul3A_851, %add3A_852 : i32
      %mul3A_854 = arith.constant 128 : i32
      %mul3A_855 = arith.muli %add3A_853, %mul3A_854 : i32
      %dma_wait3A_856 = arith.constant 3 : i32
      %dma_wait3A_857 = arith.constant 3 : i32
      %dma_wait3A_858 = arith.constant 0 : i32
      %dma_wait3A_859 = arith.constant 0 : i32
      %dma_wait3A_860 = tpu.memref_slice %arg7[%dma_wait3A_856, %dma_wait3A_858, %dma_wait3A_859] : memref<5x128x128xf32, #tpu.memory_space<vmem>> -> memref<1x128x128xf32, #tpu.memory_space<vmem>>
      %dma_wait3A_861 = tpu.memref_squeeze %dma_wait3A_860 : memref<1x128x128xf32, #tpu.memory_space<vmem>> -> memref<128x128xf32, #tpu.memory_space<vmem>>
      %dma_wait3A_862 = tpu.memref_slice %arg6[%mul3A_855] : memref<25600xi32, #tpu.memory_space<vmem>> -> memref<128xi32, #tpu.memory_space<vmem>>
      %dma_wait3A_863 = arith.constant 0 : i32
      %dma_wait3A_864 = arith.constant 0 : i32
      %dma_wait3A_865 = tpu.memref_slice %arg5[%dma_wait3A_863, %dma_wait3A_864] : memref<367x128xf32, #tpu.memory_space<vmem_shared>> -> memref<367x128xf32, #tpu.memory_space<vmem_shared>>
      %dma_wait3A_866 = tpu.memref_slice %arg8[%dma_wait3A_857] : memref<5x!tpu.dma_semaphore, #tpu.memory_space<semaphore_mem>> -> memref<1x!tpu.dma_semaphore, #tpu.memory_space<semaphore_mem>>
      %dma_wait3A_867 = tpu.memref_squeeze %dma_wait3A_866 : memref<1x!tpu.dma_semaphore, #tpu.memory_space<semaphore_mem>> -> memref<!tpu.dma_semaphore, #tpu.memory_space<semaphore_mem>>
      tpu.wait_indirect_dma semaphore(%dma_wait3A_867 : memref<!tpu.dma_semaphore, #tpu.memory_space<semaphore_mem>>) src(%dma_wait3A_865 : memref<367x128xf32, #tpu.memory_space<vmem_shared>>) dst(%dma_wait3A_861 : memref<128x128xf32, #tpu.memory_space<vmem>>)
      %mul3A_868 = arith.constant 128 : i32
      %mul3A_869 = arith.muli %add3A_853, %mul3A_868 : i32
      %add3A_870 = arith.addi %mul3A_2, %mul3A_869 : i32
      %dma_start3A_871 = arith.constant 3 : i32
      %dma_start3A_872 = arith.constant 3 : i32
      %dma_start3A_873 = arith.constant 0 : i32
      %dma_start3A_874 = arith.constant 0 : i32
      %dma_start3A_875 = tpu.memref_slice %arg7[%dma_start3A_871, %dma_start3A_873, %dma_start3A_874] : memref<5x128x128xf32, #tpu.memory_space<vmem>> -> memref<1x128x128xf32, #tpu.memory_space<vmem>>
      %dma_start3A_876 = tpu.memref_squeeze %dma_start3A_875 : memref<1x128x128xf32, #tpu.memory_space<vmem>> -> memref<128x128xf32, #tpu.memory_space<vmem>>
      %dma_start3A_877 = arith.constant 0 : i32
      %dma_start3A_878 = tpu.memref_slice %arg4[%add3A_870, %dma_start3A_877] : memref<819200x128xf32, #tpu.memory_space<hbm>> -> memref<128x128xf32, #tpu.memory_space<hbm>>
      %dma_start3A_879 = tpu.memref_slice %arg9[%dma_start3A_872] : memref<5x!tpu.dma_semaphore, #tpu.memory_space<semaphore_mem>> -> memref<1x!tpu.dma_semaphore, #tpu.memory_space<semaphore_mem>>
      %dma_start3A_880 = tpu.memref_squeeze %dma_start3A_879 : memref<1x!tpu.dma_semaphore, #tpu.memory_space<semaphore_mem>> -> memref<!tpu.dma_semaphore, #tpu.memory_space<semaphore_mem>>
      %dma_start3A_881 = arith.constant 0 : i32
      %dma_start3A_882 = tpu.memref_slice %arg4[%add3A_870, %dma_start3A_881] : memref<819200x128xf32, #tpu.memory_space<hbm>> -> memref<128x128xf32, #tpu.memory_space<hbm>>
      %dma_start3A_883 = arith.constant 0 : i32
      %dma_start3A_884 = arith.constant 0 : i32
      %dma_start3A_885 = tpu.memref_slice %arg7[%dma_start3A_871, %dma_start3A_883, %dma_start3A_884] : memref<5x128x128xf32, #tpu.memory_space<vmem>> -> memref<1x128x128xf32, #tpu.memory_space<vmem>>
      %dma_start3A_886 = tpu.memref_squeeze %dma_start3A_885 : memref<1x128x128xf32, #tpu.memory_space<vmem>> -> memref<128x128xf32, #tpu.memory_space<vmem>>
      tpu.enqueue_dma source(%dma_start3A_886 : memref<128x128xf32, #tpu.memory_space<vmem>>) target(%dma_start3A_882 : memref<128x128xf32, #tpu.memory_space<hbm>>) target_semaphore(%dma_start3A_880 : memref<!tpu.dma_semaphore, #tpu.memory_space<semaphore_mem>>)
      %sub3A_887 = arith.constant 1 : i32
      %sub3A_888 = arith.subi %add3A_853, %sub3A_887 : i32
      %mul3A_889 = arith.constant 128 : i32
      %mul3A_890 = arith.muli %sub3A_888, %mul3A_889 : i32
      %add3A_891 = arith.addi %mul3A_2, %mul3A_890 : i32
      %dma_wait3A_892 = arith.constant 2 : i32
      %dma_wait3A_893 = arith.constant 2 : i32
      %dma_wait3A_894 = arith.constant 0 : i32
      %dma_wait3A_895 = arith.constant 0 : i32
      %dma_wait3A_896 = tpu.memref_slice %arg7[%dma_wait3A_892, %dma_wait3A_894, %dma_wait3A_895] : memref<5x128x128xf32, #tpu.memory_space<vmem>> -> memref<1x128x128xf32, #tpu.memory_space<vmem>>
      %dma_wait3A_897 = tpu.memref_squeeze %dma_wait3A_896 : memref<1x128x128xf32, #tpu.memory_space<vmem>> -> memref<128x128xf32, #tpu.memory_space<vmem>>
      %dma_wait3A_898 = arith.constant 0 : i32
      %dma_wait3A_899 = tpu.memref_slice %arg4[%add3A_891, %dma_wait3A_898] : memref<819200x128xf32, #tpu.memory_space<hbm>> -> memref<128x128xf32, #tpu.memory_space<hbm>>
      %dma_wait3A_900 = tpu.memref_slice %arg9[%dma_wait3A_893] : memref<5x!tpu.dma_semaphore, #tpu.memory_space<semaphore_mem>> -> memref<1x!tpu.dma_semaphore, #tpu.memory_space<semaphore_mem>>
      %dma_wait3A_901 = tpu.memref_squeeze %dma_wait3A_900 : memref<1x!tpu.dma_semaphore, #tpu.memory_space<semaphore_mem>> -> memref<!tpu.dma_semaphore, #tpu.memory_space<semaphore_mem>>
      %dma_wait3A_902 = arith.constant 0 : i32
      %dma_wait3A_903 = tpu.memref_slice %arg4[%add3A_891, %dma_wait3A_902] : memref<819200x128xf32, #tpu.memory_space<hbm>> -> memref<128x128xf32, #tpu.memory_space<hbm>>
      %dma_wait3A_904 = arith.constant 0 : i32
      %dma_wait3A_905 = arith.constant 0 : i32
      %dma_wait3A_906 = tpu.memref_slice %arg7[%dma_wait3A_892, %dma_wait3A_904, %dma_wait3A_905] : memref<5x128x128xf32, #tpu.memory_space<vmem>> -> memref<1x128x128xf32, #tpu.memory_space<vmem>>
      %dma_wait3A_907 = tpu.memref_squeeze %dma_wait3A_906 : memref<1x128x128xf32, #tpu.memory_space<vmem>> -> memref<128x128xf32, #tpu.memory_space<vmem>>
      tpu.wait_dma2 semaphore(%dma_wait3A_901 : memref<!tpu.dma_semaphore, #tpu.memory_space<semaphore_mem>>) src(%dma_wait3A_907 : memref<128x128xf32, #tpu.memory_space<vmem>>) dst(%dma_wait3A_903 : memref<128x128xf32, #tpu.memory_space<hbm>>)
      %add3A_908 = arith.constant 4 : i32
      %add3A_909 = arith.addi %add3A_853, %add3A_908 : i32
      %mul3A_910 = arith.constant 128 : i32
      %mul3A_911 = arith.muli %add3A_909, %mul3A_910 : i32
      %dma_start3A_912 = arith.constant 2 : i32
      %dma_start3A_913 = arith.constant 2 : i32
      %dma_start3A_914 = arith.constant 0 : i32
      %dma_start3A_915 = arith.constant 0 : i32
      %dma_start3A_916 = tpu.memref_slice %arg7[%dma_start3A_912, %dma_start3A_914, %dma_start3A_915] : memref<5x128x128xf32, #tpu.memory_space<vmem>> -> memref<1x128x128xf32, #tpu.memory_space<vmem>>
      %dma_start3A_917 = tpu.memref_squeeze %dma_start3A_916 : memref<1x128x128xf32, #tpu.memory_space<vmem>> -> memref<128x128xf32, #tpu.memory_space<vmem>>
      %dma_start3A_918 = tpu.memref_slice %arg6[%mul3A_911] : memref<25600xi32, #tpu.memory_space<vmem>> -> memref<128xi32, #tpu.memory_space<vmem>>
      %dma_start3A_919 = arith.constant 0 : i32
      %dma_start3A_920 = arith.constant 0 : i32
      %dma_start3A_921 = tpu.memref_slice %arg5[%dma_start3A_919, %dma_start3A_920] : memref<367x128xf32, #tpu.memory_space<vmem_shared>> -> memref<367x128xf32, #tpu.memory_space<vmem_shared>>
      %dma_start3A_922 = tpu.memref_slice %arg8[%dma_start3A_913] : memref<5x!tpu.dma_semaphore, #tpu.memory_space<semaphore_mem>> -> memref<1x!tpu.dma_semaphore, #tpu.memory_space<semaphore_mem>>
      %dma_start3A_923 = tpu.memref_squeeze %dma_start3A_922 : memref<1x!tpu.dma_semaphore, #tpu.memory_space<semaphore_mem>> -> memref<!tpu.dma_semaphore, #tpu.memory_space<semaphore_mem>>
      tpu.enqueue_indirect_dma source(%dma_start3A_921 : memref<367x128xf32, #tpu.memory_space<vmem_shared>>) target(%dma_start3A_917 : memref<128x128xf32, #tpu.memory_space<vmem>>) offsets(%dma_start3A_918 : memref<128xi32, #tpu.memory_space<vmem>>) semaphore(%dma_start3A_923 : memref<!tpu.dma_semaphore, #tpu.memory_space<semaphore_mem>>)
      %mul3A_924 = arith.constant 5 : i32
      %mul3A_925 = arith.muli %scan3A_628, %mul3A_924 : i32
      %add3A_926 = arith.constant 4 : i32
      %add3A_927 = arith.addi %mul3A_925, %add3A_926 : i32
      %mul3A_928 = arith.constant 128 : i32
      %mul3A_929 = arith.muli %add3A_927, %mul3A_928 : i32
      %dma_wait3A_930 = arith.constant 4 : i32
      %dma_wait3A_931 = arith.constant 4 : i32
      %dma_wait3A_932 = arith.constant 0 : i32
      %dma_wait3A_933 = arith.constant 0 : i32
      %dma_wait3A_934 = tpu.memref_slice %arg7[%dma_wait3A_930, %dma_wait3A_932, %dma_wait3A_933] : memref<5x128x128xf32, #tpu.memory_space<vmem>> -> memref<1x128x128xf32, #tpu.memory_space<vmem>>
      %dma_wait3A_935 = tpu.memref_squeeze %dma_wait3A_934 : memref<1x128x128xf32, #tpu.memory_space<vmem>> -> memref<128x128xf32, #tpu.memory_space<vmem>>
      %dma_wait3A_936 = tpu.memref_slice %arg6[%mul3A_929] : memref<25600xi32, #tpu.memory_space<vmem>> -> memref<128xi32, #tpu.memory_space<vmem>>
      %dma_wait3A_937 = arith.constant 0 : i32
      %dma_wait3A_938 = arith.constant 0 : i32
      %dma_wait3A_939 = tpu.memref_slice %arg5[%dma_wait3A_937, %dma_wait3A_938] : memref<367x128xf32, #tpu.memory_space<vmem_shared>> -> memref<367x128xf32, #tpu.memory_space<vmem_shared>>
      %dma_wait3A_940 = tpu.memref_slice %arg8[%dma_wait3A_931] : memref<5x!tpu.dma_semaphore, #tpu.memory_space<semaphore_mem>> -> memref<1x!tpu.dma_semaphore, #tpu.memory_space<semaphore_mem>>
      %dma_wait3A_941 = tpu.memref_squeeze %dma_wait3A_940 : memref<1x!tpu.dma_semaphore, #tpu.memory_space<semaphore_mem>> -> memref<!tpu.dma_semaphore, #tpu.memory_space<semaphore_mem>>
      tpu.wait_indirect_dma semaphore(%dma_wait3A_941 : memref<!tpu.dma_semaphore, #tpu.memory_space<semaphore_mem>>) src(%dma_wait3A_939 : memref<367x128xf32, #tpu.memory_space<vmem_shared>>) dst(%dma_wait3A_935 : memref<128x128xf32, #tpu.memory_space<vmem>>)
      %mul3A_942 = arith.constant 128 : i32
      %mul3A_943 = arith.muli %add3A_927, %mul3A_942 : i32
      %add3A_944 = arith.addi %mul3A_2, %mul3A_943 : i32
      %dma_start3A_945 = arith.constant 4 : i32
      %dma_start3A_946 = arith.constant 4 : i32
      %dma_start3A_947 = arith.constant 0 : i32
      %dma_start3A_948 = arith.constant 0 : i32
      %dma_start3A_949 = tpu.memref_slice %arg7[%dma_start3A_945, %dma_start3A_947, %dma_start3A_948] : memref<5x128x128xf32, #tpu.memory_space<vmem>> -> memref<1x128x128xf32, #tpu.memory_space<vmem>>
      %dma_start3A_950 = tpu.memref_squeeze %dma_start3A_949 : memref<1x128x128xf32, #tpu.memory_space<vmem>> -> memref<128x128xf32, #tpu.memory_space<vmem>>
      %dma_start3A_951 = arith.constant 0 : i32
      %dma_start3A_952 = tpu.memref_slice %arg4[%add3A_944, %dma_start3A_951] : memref<819200x128xf32, #tpu.memory_space<hbm>> -> memref<128x128xf32, #tpu.memory_space<hbm>>
      %dma_start3A_953 = tpu.memref_slice %arg9[%dma_start3A_946] : memref<5x!tpu.dma_semaphore, #tpu.memory_space<semaphore_mem>> -> memref<1x!tpu.dma_semaphore, #tpu.memory_space<semaphore_mem>>
      %dma_start3A_954 = tpu.memref_squeeze %dma_start3A_953 : memref<1x!tpu.dma_semaphore, #tpu.memory_space<semaphore_mem>> -> memref<!tpu.dma_semaphore, #tpu.memory_space<semaphore_mem>>
      %dma_start3A_955 = arith.constant 0 : i32
      %dma_start3A_956 = tpu.memref_slice %arg4[%add3A_944, %dma_start3A_955] : memref<819200x128xf32, #tpu.memory_space<hbm>> -> memref<128x128xf32, #tpu.memory_space<hbm>>
      %dma_start3A_957 = arith.constant 0 : i32
      %dma_start3A_958 = arith.constant 0 : i32
      %dma_start3A_959 = tpu.memref_slice %arg7[%dma_start3A_945, %dma_start3A_957, %dma_start3A_958] : memref<5x128x128xf32, #tpu.memory_space<vmem>> -> memref<1x128x128xf32, #tpu.memory_space<vmem>>
      %dma_start3A_960 = tpu.memref_squeeze %dma_start3A_959 : memref<1x128x128xf32, #tpu.memory_space<vmem>> -> memref<128x128xf32, #tpu.memory_space<vmem>>
      tpu.enqueue_dma source(%dma_start3A_960 : memref<128x128xf32, #tpu.memory_space<vmem>>) target(%dma_start3A_956 : memref<128x128xf32, #tpu.memory_space<hbm>>) target_semaphore(%dma_start3A_954 : memref<!tpu.dma_semaphore, #tpu.memory_space<semaphore_mem>>)
      %sub3A_961 = arith.constant 1 : i32
      %sub3A_962 = arith.subi %add3A_927, %sub3A_961 : i32
      %mul3A_963 = arith.constant 128 : i32
      %mul3A_964 = arith.muli %sub3A_962, %mul3A_963 : i32
      %add3A_965 = arith.addi %mul3A_2, %mul3A_964 : i32
      %dma_wait3A_966 = arith.constant 3 : i32
      %dma_wait3A_967 = arith.constant 3 : i32
      %dma_wait3A_968 = arith.constant 0 : i32
      %dma_wait3A_969 = arith.constant 0 : i32
      %dma_wait3A_970 = tpu.memref_slice %arg7[%dma_wait3A_966, %dma_wait3A_968, %dma_wait3A_969] : memref<5x128x128xf32, #tpu.memory_space<vmem>> -> memref<1x128x128xf32, #tpu.memory_space<vmem>>
      %dma_wait3A_971 = tpu.memref_squeeze %dma_wait3A_970 : memref<1x128x128xf32, #tpu.memory_space<vmem>> -> memref<128x128xf32, #tpu.memory_space<vmem>>
      %dma_wait3A_972 = arith.constant 0 : i32
      %dma_wait3A_973 = tpu.memref_slice %arg4[%add3A_965, %dma_wait3A_972] : memref<819200x128xf32, #tpu.memory_space<hbm>> -> memref<128x128xf32, #tpu.memory_space<hbm>>
      %dma_wait3A_974 = tpu.memref_slice %arg9[%dma_wait3A_967] : memref<5x!tpu.dma_semaphore, #tpu.memory_space<semaphore_mem>> -> memref<1x!tpu.dma_semaphore, #tpu.memory_space<semaphore_mem>>
      %dma_wait3A_975 = tpu.memref_squeeze %dma_wait3A_974 : memref<1x!tpu.dma_semaphore, #tpu.memory_space<semaphore_mem>> -> memref<!tpu.dma_semaphore, #tpu.memory_space<semaphore_mem>>
      %dma_wait3A_976 = arith.constant 0 : i32
      %dma_wait3A_977 = tpu.memref_slice %arg4[%add3A_965, %dma_wait3A_976] : memref<819200x128xf32, #tpu.memory_space<hbm>> -> memref<128x128xf32, #tpu.memory_space<hbm>>
      %dma_wait3A_978 = arith.constant 0 : i32
      %dma_wait3A_979 = arith.constant 0 : i32
      %dma_wait3A_980 = tpu.memref_slice %arg7[%dma_wait3A_966, %dma_wait3A_978, %dma_wait3A_979] : memref<5x128x128xf32, #tpu.memory_space<vmem>> -> memref<1x128x128xf32, #tpu.memory_space<vmem>>
      %dma_wait3A_981 = tpu.memref_squeeze %dma_wait3A_980 : memref<1x128x128xf32, #tpu.memory_space<vmem>> -> memref<128x128xf32, #tpu.memory_space<vmem>>
      tpu.wait_dma2 semaphore(%dma_wait3A_975 : memref<!tpu.dma_semaphore, #tpu.memory_space<semaphore_mem>>) src(%dma_wait3A_981 : memref<128x128xf32, #tpu.memory_space<vmem>>) dst(%dma_wait3A_977 : memref<128x128xf32, #tpu.memory_space<hbm>>)
      %add3A_982 = arith.constant 4 : i32
      %add3A_983 = arith.addi %add3A_927, %add3A_982 : i32
      %mul3A_984 = arith.constant 128 : i32
      %mul3A_985 = arith.muli %add3A_983, %mul3A_984 : i32
      %dma_start3A_986 = arith.constant 3 : i32
      %dma_start3A_987 = arith.constant 3 : i32
      %dma_start3A_988 = arith.constant 0 : i32
      %dma_start3A_989 = arith.constant 0 : i32
      %dma_start3A_990 = tpu.memref_slice %arg7[%dma_start3A_986, %dma_start3A_988, %dma_start3A_989] : memref<5x128x128xf32, #tpu.memory_space<vmem>> -> memref<1x128x128xf32, #tpu.memory_space<vmem>>
      %dma_start3A_991 = tpu.memref_squeeze %dma_start3A_990 : memref<1x128x128xf32, #tpu.memory_space<vmem>> -> memref<128x128xf32, #tpu.memory_space<vmem>>
      %dma_start3A_992 = tpu.memref_slice %arg6[%mul3A_985] : memref<25600xi32, #tpu.memory_space<vmem>> -> memref<128xi32, #tpu.memory_space<vmem>>
      %dma_start3A_993 = arith.constant 0 : i32
      %dma_start3A_994 = arith.constant 0 : i32
      %dma_start3A_995 = tpu.memref_slice %arg5[%dma_start3A_993, %dma_start3A_994] : memref<367x128xf32, #tpu.memory_space<vmem_shared>> -> memref<367x128xf32, #tpu.memory_space<vmem_shared>>
      %dma_start3A_996 = tpu.memref_slice %arg8[%dma_start3A_987] : memref<5x!tpu.dma_semaphore, #tpu.memory_space<semaphore_mem>> -> memref<1x!tpu.dma_semaphore, #tpu.memory_space<semaphore_mem>>
      %dma_start3A_997 = tpu.memref_squeeze %dma_start3A_996 : memref<1x!tpu.dma_semaphore, #tpu.memory_space<semaphore_mem>> -> memref<!tpu.dma_semaphore, #tpu.memory_space<semaphore_mem>>
      tpu.enqueue_indirect_dma source(%dma_start3A_995 : memref<367x128xf32, #tpu.memory_space<vmem_shared>>) target(%dma_start3A_991 : memref<128x128xf32, #tpu.memory_space<vmem>>) offsets(%dma_start3A_992 : memref<128xi32, #tpu.memory_space<vmem>>) semaphore(%dma_start3A_997 : memref<!tpu.dma_semaphore, #tpu.memory_space<semaphore_mem>>)
    }
    %scan3A_351 = arith.constant 38 : i32
    %dma_wait3A_352 = arith.constant 0 : i32
    %dma_wait3A_353 = arith.constant 0 : i32
    %dma_wait3A_354 = arith.constant 0 : i32
    %dma_wait3A_355 = arith.constant 0 : i32
    %dma_wait3A_356 = tpu.memref_slice %arg7[%dma_wait3A_352, %dma_wait3A_354, %dma_wait3A_355] : memref<5x128x128xf32, #tpu.memory_space<vmem>> -> memref<1x128x128xf32, #tpu.memory_space<vmem>>
    %dma_wait3A_357 = tpu.memref_squeeze %dma_wait3A_356 : memref<1x128x128xf32, #tpu.memory_space<vmem>> -> memref<128x128xf32, #tpu.memory_space<vmem>>
    %dma_wait3A_358 = arith.constant 24960 : i32
    %dma_wait3A_359 = tpu.memref_slice %arg6[%dma_wait3A_358] : memref<25600xi32, #tpu.memory_space<vmem>> -> memref<128xi32, #tpu.memory_space<vmem>>
    %dma_wait3A_360 = arith.constant 0 : i32
    %dma_wait3A_361 = arith.constant 0 : i32
    %dma_wait3A_362 = tpu.memref_slice %arg5[%dma_wait3A_360, %dma_wait3A_361] : memref<367x128xf32, #tpu.memory_space<vmem_shared>> -> memref<367x128xf32, #tpu.memory_space<vmem_shared>>
    %dma_wait3A_363 = tpu.memref_slice %arg8[%dma_wait3A_353] : memref<5x!tpu.dma_semaphore, #tpu.memory_space<semaphore_mem>> -> memref<1x!tpu.dma_semaphore, #tpu.memory_space<semaphore_mem>>
    %dma_wait3A_364 = tpu.memref_squeeze %dma_wait3A_363 : memref<1x!tpu.dma_semaphore, #tpu.memory_space<semaphore_mem>> -> memref<!tpu.dma_semaphore, #tpu.memory_space<semaphore_mem>>
    tpu.wait_indirect_dma semaphore(%dma_wait3A_364 : memref<!tpu.dma_semaphore, #tpu.memory_space<semaphore_mem>>) src(%dma_wait3A_362 : memref<367x128xf32, #tpu.memory_space<vmem_shared>>) dst(%dma_wait3A_357 : memref<128x128xf32, #tpu.memory_space<vmem>>)
    %add3A_365 = arith.constant 24960 : i32
    %add3A_366 = arith.addi %mul3A_2, %add3A_365 : i32
    %dma_start3A_367 = arith.constant 0 : i32
    %dma_start3A_368 = arith.constant 0 : i32
    %dma_start3A_369 = arith.constant 0 : i32
    %dma_start3A_370 = arith.constant 0 : i32
    %dma_start3A_371 = tpu.memref_slice %arg7[%dma_start3A_367, %dma_start3A_369, %dma_start3A_370] : memref<5x128x128xf32, #tpu.memory_space<vmem>> -> memref<1x128x128xf32, #tpu.memory_space<vmem>>
    %dma_start3A_372 = tpu.memref_squeeze %dma_start3A_371 : memref<1x128x128xf32, #tpu.memory_space<vmem>> -> memref<128x128xf32, #tpu.memory_space<vmem>>
    %dma_start3A_373 = arith.constant 0 : i32
    %dma_start3A_374 = tpu.memref_slice %arg4[%add3A_366, %dma_start3A_373] : memref<819200x128xf32, #tpu.memory_space<hbm>> -> memref<128x128xf32, #tpu.memory_space<hbm>>
    %dma_start3A_375 = tpu.memref_slice %arg9[%dma_start3A_368] : memref<5x!tpu.dma_semaphore, #tpu.memory_space<semaphore_mem>> -> memref<1x!tpu.dma_semaphore, #tpu.memory_space<semaphore_mem>>
    %dma_start3A_376 = tpu.memref_squeeze %dma_start3A_375 : memref<1x!tpu.dma_semaphore, #tpu.memory_space<semaphore_mem>> -> memref<!tpu.dma_semaphore, #tpu.memory_space<semaphore_mem>>
    %dma_start3A_377 = arith.constant 0 : i32
    %dma_start3A_378 = tpu.memref_slice %arg4[%add3A_366, %dma_start3A_377] : memref<819200x128xf32, #tpu.memory_space<hbm>> -> memref<128x128xf32, #tpu.memory_space<hbm>>
    %dma_start3A_379 = arith.constant 0 : i32
    %dma_start3A_380 = arith.constant 0 : i32
    %dma_start3A_381 = tpu.memref_slice %arg7[%dma_start3A_367, %dma_start3A_379, %dma_start3A_380] : memref<5x128x128xf32, #tpu.memory_space<vmem>> -> memref<1x128x128xf32, #tpu.memory_space<vmem>>
    %dma_start3A_382 = tpu.memref_squeeze %dma_start3A_381 : memref<1x128x128xf32, #tpu.memory_space<vmem>> -> memref<128x128xf32, #tpu.memory_space<vmem>>
    tpu.enqueue_dma source(%dma_start3A_382 : memref<128x128xf32, #tpu.memory_space<vmem>>) target(%dma_start3A_378 : memref<128x128xf32, #tpu.memory_space<hbm>>) target_semaphore(%dma_start3A_376 : memref<!tpu.dma_semaphore, #tpu.memory_space<semaphore_mem>>)
    %add3A_383 = arith.constant 24832 : i32
    %add3A_384 = arith.addi %mul3A_2, %add3A_383 : i32
    %dma_wait3A_385 = arith.constant 4 : i32
    %dma_wait3A_386 = arith.constant 4 : i32
    %dma_wait3A_387 = arith.constant 0 : i32
    %dma_wait3A_388 = arith.constant 0 : i32
    %dma_wait3A_389 = tpu.memref_slice %arg7[%dma_wait3A_385, %dma_wait3A_387, %dma_wait3A_388] : memref<5x128x128xf32, #tpu.memory_space<vmem>> -> memref<1x128x128xf32, #tpu.memory_space<vmem>>
    %dma_wait3A_390 = tpu.memref_squeeze %dma_wait3A_389 : memref<1x128x128xf32, #tpu.memory_space<vmem>> -> memref<128x128xf32, #tpu.memory_space<vmem>>
    %dma_wait3A_391 = arith.constant 0 : i32
    %dma_wait3A_392 = tpu.memref_slice %arg4[%add3A_384, %dma_wait3A_391] : memref<819200x128xf32, #tpu.memory_space<hbm>> -> memref<128x128xf32, #tpu.memory_space<hbm>>
    %dma_wait3A_393 = tpu.memref_slice %arg9[%dma_wait3A_386] : memref<5x!tpu.dma_semaphore, #tpu.memory_space<semaphore_mem>> -> memref<1x!tpu.dma_semaphore, #tpu.memory_space<semaphore_mem>>
    %dma_wait3A_394 = tpu.memref_squeeze %dma_wait3A_393 : memref<1x!tpu.dma_semaphore, #tpu.memory_space<semaphore_mem>> -> memref<!tpu.dma_semaphore, #tpu.memory_space<semaphore_mem>>
    %dma_wait3A_395 = arith.constant 0 : i32
    %dma_wait3A_396 = tpu.memref_slice %arg4[%add3A_384, %dma_wait3A_395] : memref<819200x128xf32, #tpu.memory_space<hbm>> -> memref<128x128xf32, #tpu.memory_space<hbm>>
    %dma_wait3A_397 = arith.constant 0 : i32
    %dma_wait3A_398 = arith.constant 0 : i32
    %dma_wait3A_399 = tpu.memref_slice %arg7[%dma_wait3A_385, %dma_wait3A_397, %dma_wait3A_398] : memref<5x128x128xf32, #tpu.memory_space<vmem>> -> memref<1x128x128xf32, #tpu.memory_space<vmem>>
    %dma_wait3A_400 = tpu.memref_squeeze %dma_wait3A_399 : memref<1x128x128xf32, #tpu.memory_space<vmem>> -> memref<128x128xf32, #tpu.memory_space<vmem>>
    tpu.wait_dma2 semaphore(%dma_wait3A_394 : memref<!tpu.dma_semaphore, #tpu.memory_space<semaphore_mem>>) src(%dma_wait3A_400 : memref<128x128xf32, #tpu.memory_space<vmem>>) dst(%dma_wait3A_396 : memref<128x128xf32, #tpu.memory_space<hbm>>)
    %dma_start3A_401 = arith.constant 4 : i32
    %dma_start3A_402 = arith.constant 4 : i32
    %dma_start3A_403 = arith.constant 0 : i32
    %dma_start3A_404 = arith.constant 0 : i32
    %dma_start3A_405 = tpu.memref_slice %arg7[%dma_start3A_401, %dma_start3A_403, %dma_start3A_404] : memref<5x128x128xf32, #tpu.memory_space<vmem>> -> memref<1x128x128xf32, #tpu.memory_space<vmem>>
    %dma_start3A_406 = tpu.memref_squeeze %dma_start3A_405 : memref<1x128x128xf32, #tpu.memory_space<vmem>> -> memref<128x128xf32, #tpu.memory_space<vmem>>
    %dma_start3A_407 = arith.constant 25472 : i32
    %dma_start3A_408 = tpu.memref_slice %arg6[%dma_start3A_407] : memref<25600xi32, #tpu.memory_space<vmem>> -> memref<128xi32, #tpu.memory_space<vmem>>
    %dma_start3A_409 = arith.constant 0 : i32
    %dma_start3A_410 = arith.constant 0 : i32
    %dma_start3A_411 = tpu.memref_slice %arg5[%dma_start3A_409, %dma_start3A_410] : memref<367x128xf32, #tpu.memory_space<vmem_shared>> -> memref<367x128xf32, #tpu.memory_space<vmem_shared>>
    %dma_start3A_412 = tpu.memref_slice %arg8[%dma_start3A_402] : memref<5x!tpu.dma_semaphore, #tpu.memory_space<semaphore_mem>> -> memref<1x!tpu.dma_semaphore, #tpu.memory_space<semaphore_mem>>
    %dma_start3A_413 = tpu.memref_squeeze %dma_start3A_412 : memref<1x!tpu.dma_semaphore, #tpu.memory_space<semaphore_mem>> -> memref<!tpu.dma_semaphore, #tpu.memory_space<semaphore_mem>>
    tpu.enqueue_indirect_dma source(%dma_start3A_411 : memref<367x128xf32, #tpu.memory_space<vmem_shared>>) target(%dma_start3A_406 : memref<128x128xf32, #tpu.memory_space<vmem>>) offsets(%dma_start3A_408 : memref<128xi32, #tpu.memory_space<vmem>>) semaphore(%dma_start3A_413 : memref<!tpu.dma_semaphore, #tpu.memory_space<semaphore_mem>>)
    %dma_wait3A_414 = arith.constant 1 : i32
    %dma_wait3A_415 = arith.constant 1 : i32
    %dma_wait3A_416 = arith.constant 0 : i32
    %dma_wait3A_417 = arith.constant 0 : i32
    %dma_wait3A_418 = tpu.memref_slice %arg7[%dma_wait3A_414, %dma_wait3A_416, %dma_wait3A_417] : memref<5x128x128xf32, #tpu.memory_space<vmem>> -> memref<1x128x128xf32, #tpu.memory_space<vmem>>
    %dma_wait3A_419 = tpu.memref_squeeze %dma_wait3A_418 : memref<1x128x128xf32, #tpu.memory_space<vmem>> -> memref<128x128xf32, #tpu.memory_space<vmem>>
    %dma_wait3A_420 = arith.constant 25088 : i32
    %dma_wait3A_421 = tpu.memref_slice %arg6[%dma_wait3A_420] : memref<25600xi32, #tpu.memory_space<vmem>> -> memref<128xi32, #tpu.memory_space<vmem>>
    %dma_wait3A_422 = arith.constant 0 : i32
    %dma_wait3A_423 = arith.constant 0 : i32
    %dma_wait3A_424 = tpu.memref_slice %arg5[%dma_wait3A_422, %dma_wait3A_423] : memref<367x128xf32, #tpu.memory_space<vmem_shared>> -> memref<367x128xf32, #tpu.memory_space<vmem_shared>>
    %dma_wait3A_425 = tpu.memref_slice %arg8[%dma_wait3A_415] : memref<5x!tpu.dma_semaphore, #tpu.memory_space<semaphore_mem>> -> memref<1x!tpu.dma_semaphore, #tpu.memory_space<semaphore_mem>>
    %dma_wait3A_426 = tpu.memref_squeeze %dma_wait3A_425 : memref<1x!tpu.dma_semaphore, #tpu.memory_space<semaphore_mem>> -> memref<!tpu.dma_semaphore, #tpu.memory_space<semaphore_mem>>
    tpu.wait_indirect_dma semaphore(%dma_wait3A_426 : memref<!tpu.dma_semaphore, #tpu.memory_space<semaphore_mem>>) src(%dma_wait3A_424 : memref<367x128xf32, #tpu.memory_space<vmem_shared>>) dst(%dma_wait3A_419 : memref<128x128xf32, #tpu.memory_space<vmem>>)
    %add3A_427 = arith.constant 25088 : i32
    %add3A_428 = arith.addi %mul3A_2, %add3A_427 : i32
    %dma_start3A_429 = arith.constant 1 : i32
    %dma_start3A_430 = arith.constant 1 : i32
    %dma_start3A_431 = arith.constant 0 : i32
    %dma_start3A_432 = arith.constant 0 : i32
    %dma_start3A_433 = tpu.memref_slice %arg7[%dma_start3A_429, %dma_start3A_431, %dma_start3A_432] : memref<5x128x128xf32, #tpu.memory_space<vmem>> -> memref<1x128x128xf32, #tpu.memory_space<vmem>>
    %dma_start3A_434 = tpu.memref_squeeze %dma_start3A_433 : memref<1x128x128xf32, #tpu.memory_space<vmem>> -> memref<128x128xf32, #tpu.memory_space<vmem>>
    %dma_start3A_435 = arith.constant 0 : i32
    %dma_start3A_436 = tpu.memref_slice %arg4[%add3A_428, %dma_start3A_435] : memref<819200x128xf32, #tpu.memory_space<hbm>> -> memref<128x128xf32, #tpu.memory_space<hbm>>
    %dma_start3A_437 = tpu.memref_slice %arg9[%dma_start3A_430] : memref<5x!tpu.dma_semaphore, #tpu.memory_space<semaphore_mem>> -> memref<1x!tpu.dma_semaphore, #tpu.memory_space<semaphore_mem>>
    %dma_start3A_438 = tpu.memref_squeeze %dma_start3A_437 : memref<1x!tpu.dma_semaphore, #tpu.memory_space<semaphore_mem>> -> memref<!tpu.dma_semaphore, #tpu.memory_space<semaphore_mem>>
    %dma_start3A_439 = arith.constant 0 : i32
    %dma_start3A_440 = tpu.memref_slice %arg4[%add3A_428, %dma_start3A_439] : memref<819200x128xf32, #tpu.memory_space<hbm>> -> memref<128x128xf32, #tpu.memory_space<hbm>>
    %dma_start3A_441 = arith.constant 0 : i32
    %dma_start3A_442 = arith.constant 0 : i32
    %dma_start3A_443 = tpu.memref_slice %arg7[%dma_start3A_429, %dma_start3A_441, %dma_start3A_442] : memref<5x128x128xf32, #tpu.memory_space<vmem>> -> memref<1x128x128xf32, #tpu.memory_space<vmem>>
    %dma_start3A_444 = tpu.memref_squeeze %dma_start3A_443 : memref<1x128x128xf32, #tpu.memory_space<vmem>> -> memref<128x128xf32, #tpu.memory_space<vmem>>
    tpu.enqueue_dma source(%dma_start3A_444 : memref<128x128xf32, #tpu.memory_space<vmem>>) target(%dma_start3A_440 : memref<128x128xf32, #tpu.memory_space<hbm>>) target_semaphore(%dma_start3A_438 : memref<!tpu.dma_semaphore, #tpu.memory_space<semaphore_mem>>)
    %dma_wait3A_445 = arith.constant 2 : i32
    %dma_wait3A_446 = arith.constant 2 : i32
    %dma_wait3A_447 = arith.constant 0 : i32
    %dma_wait3A_448 = arith.constant 0 : i32
    %dma_wait3A_449 = tpu.memref_slice %arg7[%dma_wait3A_445, %dma_wait3A_447, %dma_wait3A_448] : memref<5x128x128xf32, #tpu.memory_space<vmem>> -> memref<1x128x128xf32, #tpu.memory_space<vmem>>
    %dma_wait3A_450 = tpu.memref_squeeze %dma_wait3A_449 : memref<1x128x128xf32, #tpu.memory_space<vmem>> -> memref<128x128xf32, #tpu.memory_space<vmem>>
    %dma_wait3A_451 = arith.constant 25216 : i32
    %dma_wait3A_452 = tpu.memref_slice %arg6[%dma_wait3A_451] : memref<25600xi32, #tpu.memory_space<vmem>> -> memref<128xi32, #tpu.memory_space<vmem>>
    %dma_wait3A_453 = arith.constant 0 : i32
    %dma_wait3A_454 = arith.constant 0 : i32
    %dma_wait3A_455 = tpu.memref_slice %arg5[%dma_wait3A_453, %dma_wait3A_454] : memref<367x128xf32, #tpu.memory_space<vmem_shared>> -> memref<367x128xf32, #tpu.memory_space<vmem_shared>>
    %dma_wait3A_456 = tpu.memref_slice %arg8[%dma_wait3A_446] : memref<5x!tpu.dma_semaphore, #tpu.memory_space<semaphore_mem>> -> memref<1x!tpu.dma_semaphore, #tpu.memory_space<semaphore_mem>>
    %dma_wait3A_457 = tpu.memref_squeeze %dma_wait3A_456 : memref<1x!tpu.dma_semaphore, #tpu.memory_space<semaphore_mem>> -> memref<!tpu.dma_semaphore, #tpu.memory_space<semaphore_mem>>
    tpu.wait_indirect_dma semaphore(%dma_wait3A_457 : memref<!tpu.dma_semaphore, #tpu.memory_space<semaphore_mem>>) src(%dma_wait3A_455 : memref<367x128xf32, #tpu.memory_space<vmem_shared>>) dst(%dma_wait3A_450 : memref<128x128xf32, #tpu.memory_space<vmem>>)
    %add3A_458 = arith.constant 25216 : i32
    %add3A_459 = arith.addi %mul3A_2, %add3A_458 : i32
    %dma_start3A_460 = arith.constant 2 : i32
    %dma_start3A_461 = arith.constant 2 : i32
    %dma_start3A_462 = arith.constant 0 : i32
    %dma_start3A_463 = arith.constant 0 : i32
    %dma_start3A_464 = tpu.memref_slice %arg7[%dma_start3A_460, %dma_start3A_462, %dma_start3A_463] : memref<5x128x128xf32, #tpu.memory_space<vmem>> -> memref<1x128x128xf32, #tpu.memory_space<vmem>>
    %dma_start3A_465 = tpu.memref_squeeze %dma_start3A_464 : memref<1x128x128xf32, #tpu.memory_space<vmem>> -> memref<128x128xf32, #tpu.memory_space<vmem>>
    %dma_start3A_466 = arith.constant 0 : i32
    %dma_start3A_467 = tpu.memref_slice %arg4[%add3A_459, %dma_start3A_466] : memref<819200x128xf32, #tpu.memory_space<hbm>> -> memref<128x128xf32, #tpu.memory_space<hbm>>
    %dma_start3A_468 = tpu.memref_slice %arg9[%dma_start3A_461] : memref<5x!tpu.dma_semaphore, #tpu.memory_space<semaphore_mem>> -> memref<1x!tpu.dma_semaphore, #tpu.memory_space<semaphore_mem>>
    %dma_start3A_469 = tpu.memref_squeeze %dma_start3A_468 : memref<1x!tpu.dma_semaphore, #tpu.memory_space<semaphore_mem>> -> memref<!tpu.dma_semaphore, #tpu.memory_space<semaphore_mem>>
    %dma_start3A_470 = arith.constant 0 : i32
    %dma_start3A_471 = tpu.memref_slice %arg4[%add3A_459, %dma_start3A_470] : memref<819200x128xf32, #tpu.memory_space<hbm>> -> memref<128x128xf32, #tpu.memory_space<hbm>>
    %dma_start3A_472 = arith.constant 0 : i32
    %dma_start3A_473 = arith.constant 0 : i32
    %dma_start3A_474 = tpu.memref_slice %arg7[%dma_start3A_460, %dma_start3A_472, %dma_start3A_473] : memref<5x128x128xf32, #tpu.memory_space<vmem>> -> memref<1x128x128xf32, #tpu.memory_space<vmem>>
    %dma_start3A_475 = tpu.memref_squeeze %dma_start3A_474 : memref<1x128x128xf32, #tpu.memory_space<vmem>> -> memref<128x128xf32, #tpu.memory_space<vmem>>
    tpu.enqueue_dma source(%dma_start3A_475 : memref<128x128xf32, #tpu.memory_space<vmem>>) target(%dma_start3A_471 : memref<128x128xf32, #tpu.memory_space<hbm>>) target_semaphore(%dma_start3A_469 : memref<!tpu.dma_semaphore, #tpu.memory_space<semaphore_mem>>)
    %dma_wait3A_476 = arith.constant 3 : i32
    %dma_wait3A_477 = arith.constant 3 : i32
    %dma_wait3A_478 = arith.constant 0 : i32
    %dma_wait3A_479 = arith.constant 0 : i32
    %dma_wait3A_480 = tpu.memref_slice %arg7[%dma_wait3A_476, %dma_wait3A_478, %dma_wait3A_479] : memref<5x128x128xf32, #tpu.memory_space<vmem>> -> memref<1x128x128xf32, #tpu.memory_space<vmem>>
    %dma_wait3A_481 = tpu.memref_squeeze %dma_wait3A_480 : memref<1x128x128xf32, #tpu.memory_space<vmem>> -> memref<128x128xf32, #tpu.memory_space<vmem>>
    %dma_wait3A_482 = arith.constant 25344 : i32
    %dma_wait3A_483 = tpu.memref_slice %arg6[%dma_wait3A_482] : memref<25600xi32, #tpu.memory_space<vmem>> -> memref<128xi32, #tpu.memory_space<vmem>>
    %dma_wait3A_484 = arith.constant 0 : i32
    %dma_wait3A_485 = arith.constant 0 : i32
    %dma_wait3A_486 = tpu.memref_slice %arg5[%dma_wait3A_484, %dma_wait3A_485] : memref<367x128xf32, #tpu.memory_space<vmem_shared>> -> memref<367x128xf32, #tpu.memory_space<vmem_shared>>
    %dma_wait3A_487 = tpu.memref_slice %arg8[%dma_wait3A_477] : memref<5x!tpu.dma_semaphore, #tpu.memory_space<semaphore_mem>> -> memref<1x!tpu.dma_semaphore, #tpu.memory_space<semaphore_mem>>
    %dma_wait3A_488 = tpu.memref_squeeze %dma_wait3A_487 : memref<1x!tpu.dma_semaphore, #tpu.memory_space<semaphore_mem>> -> memref<!tpu.dma_semaphore, #tpu.memory_space<semaphore_mem>>
    tpu.wait_indirect_dma semaphore(%dma_wait3A_488 : memref<!tpu.dma_semaphore, #tpu.memory_space<semaphore_mem>>) src(%dma_wait3A_486 : memref<367x128xf32, #tpu.memory_space<vmem_shared>>) dst(%dma_wait3A_481 : memref<128x128xf32, #tpu.memory_space<vmem>>)
    %add3A_489 = arith.constant 25344 : i32
    %add3A_490 = arith.addi %mul3A_2, %add3A_489 : i32
    %dma_start3A_491 = arith.constant 3 : i32
    %dma_start3A_492 = arith.constant 3 : i32
    %dma_start3A_493 = arith.constant 0 : i32
    %dma_start3A_494 = arith.constant 0 : i32
    %dma_start3A_495 = tpu.memref_slice %arg7[%dma_start3A_491, %dma_start3A_493, %dma_start3A_494] : memref<5x128x128xf32, #tpu.memory_space<vmem>> -> memref<1x128x128xf32, #tpu.memory_space<vmem>>
    %dma_start3A_496 = tpu.memref_squeeze %dma_start3A_495 : memref<1x128x128xf32, #tpu.memory_space<vmem>> -> memref<128x128xf32, #tpu.memory_space<vmem>>
    %dma_start3A_497 = arith.constant 0 : i32
    %dma_start3A_498 = tpu.memref_slice %arg4[%add3A_490, %dma_start3A_497] : memref<819200x128xf32, #tpu.memory_space<hbm>> -> memref<128x128xf32, #tpu.memory_space<hbm>>
    %dma_start3A_499 = tpu.memref_slice %arg9[%dma_start3A_492] : memref<5x!tpu.dma_semaphore, #tpu.memory_space<semaphore_mem>> -> memref<1x!tpu.dma_semaphore, #tpu.memory_space<semaphore_mem>>
    %dma_start3A_500 = tpu.memref_squeeze %dma_start3A_499 : memref<1x!tpu.dma_semaphore, #tpu.memory_space<semaphore_mem>> -> memref<!tpu.dma_semaphore, #tpu.memory_space<semaphore_mem>>
    %dma_start3A_501 = arith.constant 0 : i32
    %dma_start3A_502 = tpu.memref_slice %arg4[%add3A_490, %dma_start3A_501] : memref<819200x128xf32, #tpu.memory_space<hbm>> -> memref<128x128xf32, #tpu.memory_space<hbm>>
    %dma_start3A_503 = arith.constant 0 : i32
    %dma_start3A_504 = arith.constant 0 : i32
    %dma_start3A_505 = tpu.memref_slice %arg7[%dma_start3A_491, %dma_start3A_503, %dma_start3A_504] : memref<5x128x128xf32, #tpu.memory_space<vmem>> -> memref<1x128x128xf32, #tpu.memory_space<vmem>>
    %dma_start3A_506 = tpu.memref_squeeze %dma_start3A_505 : memref<1x128x128xf32, #tpu.memory_space<vmem>> -> memref<128x128xf32, #tpu.memory_space<vmem>>
    tpu.enqueue_dma source(%dma_start3A_506 : memref<128x128xf32, #tpu.memory_space<vmem>>) target(%dma_start3A_502 : memref<128x128xf32, #tpu.memory_space<hbm>>) target_semaphore(%dma_start3A_500 : memref<!tpu.dma_semaphore, #tpu.memory_space<semaphore_mem>>)
    %dma_wait3A_507 = arith.constant 4 : i32
    %dma_wait3A_508 = arith.constant 4 : i32
    %dma_wait3A_509 = arith.constant 0 : i32
    %dma_wait3A_510 = arith.constant 0 : i32
    %dma_wait3A_511 = tpu.memref_slice %arg7[%dma_wait3A_507, %dma_wait3A_509, %dma_wait3A_510] : memref<5x128x128xf32, #tpu.memory_space<vmem>> -> memref<1x128x128xf32, #tpu.memory_space<vmem>>
    %dma_wait3A_512 = tpu.memref_squeeze %dma_wait3A_511 : memref<1x128x128xf32, #tpu.memory_space<vmem>> -> memref<128x128xf32, #tpu.memory_space<vmem>>
    %dma_wait3A_513 = arith.constant 25472 : i32
    %dma_wait3A_514 = tpu.memref_slice %arg6[%dma_wait3A_513] : memref<25600xi32, #tpu.memory_space<vmem>> -> memref<128xi32, #tpu.memory_space<vmem>>
    %dma_wait3A_515 = arith.constant 0 : i32
    %dma_wait3A_516 = arith.constant 0 : i32
    %dma_wait3A_517 = tpu.memref_slice %arg5[%dma_wait3A_515, %dma_wait3A_516] : memref<367x128xf32, #tpu.memory_space<vmem_shared>> -> memref<367x128xf32, #tpu.memory_space<vmem_shared>>
    %dma_wait3A_518 = tpu.memref_slice %arg8[%dma_wait3A_508] : memref<5x!tpu.dma_semaphore, #tpu.memory_space<semaphore_mem>> -> memref<1x!tpu.dma_semaphore, #tpu.memory_space<semaphore_mem>>
    %dma_wait3A_519 = tpu.memref_squeeze %dma_wait3A_518 : memref<1x!tpu.dma_semaphore, #tpu.memory_space<semaphore_mem>> -> memref<!tpu.dma_semaphore, #tpu.memory_space<semaphore_mem>>
    tpu.wait_indirect_dma semaphore(%dma_wait3A_519 : memref<!tpu.dma_semaphore, #tpu.memory_space<semaphore_mem>>) src(%dma_wait3A_517 : memref<367x128xf32, #tpu.memory_space<vmem_shared>>) dst(%dma_wait3A_512 : memref<128x128xf32, #tpu.memory_space<vmem>>)
    %add3A_520 = arith.constant 25472 : i32
    %add3A_521 = arith.addi %mul3A_2, %add3A_520 : i32
    %dma_start3A_522 = arith.constant 4 : i32
    %dma_start3A_523 = arith.constant 4 : i32
    %dma_start3A_524 = arith.constant 0 : i32
    %dma_start3A_525 = arith.constant 0 : i32
    %dma_start3A_526 = tpu.memref_slice %arg7[%dma_start3A_522, %dma_start3A_524, %dma_start3A_525] : memref<5x128x128xf32, #tpu.memory_space<vmem>> -> memref<1x128x128xf32, #tpu.memory_space<vmem>>
    %dma_start3A_527 = tpu.memref_squeeze %dma_start3A_526 : memref<1x128x128xf32, #tpu.memory_space<vmem>> -> memref<128x128xf32, #tpu.memory_space<vmem>>
    %dma_start3A_528 = arith.constant 0 : i32
    %dma_start3A_529 = tpu.memref_slice %arg4[%add3A_521, %dma_start3A_528] : memref<819200x128xf32, #tpu.memory_space<hbm>> -> memref<128x128xf32, #tpu.memory_space<hbm>>
    %dma_start3A_530 = tpu.memref_slice %arg9[%dma_start3A_523] : memref<5x!tpu.dma_semaphore, #tpu.memory_space<semaphore_mem>> -> memref<1x!tpu.dma_semaphore, #tpu.memory_space<semaphore_mem>>
    %dma_start3A_531 = tpu.memref_squeeze %dma_start3A_530 : memref<1x!tpu.dma_semaphore, #tpu.memory_space<semaphore_mem>> -> memref<!tpu.dma_semaphore, #tpu.memory_space<semaphore_mem>>
    %dma_start3A_532 = arith.constant 0 : i32
    %dma_start3A_533 = tpu.memref_slice %arg4[%add3A_521, %dma_start3A_532] : memref<819200x128xf32, #tpu.memory_space<hbm>> -> memref<128x128xf32, #tpu.memory_space<hbm>>
    %dma_start3A_534 = arith.constant 0 : i32
    %dma_start3A_535 = arith.constant 0 : i32
    %dma_start3A_536 = tpu.memref_slice %arg7[%dma_start3A_522, %dma_start3A_534, %dma_start3A_535] : memref<5x128x128xf32, #tpu.memory_space<vmem>> -> memref<1x128x128xf32, #tpu.memory_space<vmem>>
    %dma_start3A_537 = tpu.memref_squeeze %dma_start3A_536 : memref<1x128x128xf32, #tpu.memory_space<vmem>> -> memref<128x128xf32, #tpu.memory_space<vmem>>
    tpu.enqueue_dma source(%dma_start3A_537 : memref<128x128xf32, #tpu.memory_space<vmem>>) target(%dma_start3A_533 : memref<128x128xf32, #tpu.memory_space<hbm>>) target_semaphore(%dma_start3A_531 : memref<!tpu.dma_semaphore, #tpu.memory_space<semaphore_mem>>)
    %add3A_538 = arith.constant 24960 : i32
    %add3A_539 = arith.addi %mul3A_2, %add3A_538 : i32
    %dma_wait3A_540 = arith.constant 0 : i32
    %dma_wait3A_541 = arith.constant 0 : i32
    %dma_wait3A_542 = arith.constant 0 : i32
    %dma_wait3A_543 = arith.constant 0 : i32
    %dma_wait3A_544 = tpu.memref_slice %arg7[%dma_wait3A_540, %dma_wait3A_542, %dma_wait3A_543] : memref<5x128x128xf32, #tpu.memory_space<vmem>> -> memref<1x128x128xf32, #tpu.memory_space<vmem>>
    %dma_wait3A_545 = tpu.memref_squeeze %dma_wait3A_544 : memref<1x128x128xf32, #tpu.memory_space<vmem>> -> memref<128x128xf32, #tpu.memory_space<vmem>>
    %dma_wait3A_546 = arith.constant 0 : i32
    %dma_wait3A_547 = tpu.memref_slice %arg4[%add3A_539, %dma_wait3A_546] : memref<819200x128xf32, #tpu.memory_space<hbm>> -> memref<128x128xf32, #tpu.memory_space<hbm>>
    %dma_wait3A_548 = tpu.memref_slice %arg9[%dma_wait3A_541] : memref<5x!tpu.dma_semaphore, #tpu.memory_space<semaphore_mem>> -> memref<1x!tpu.dma_semaphore, #tpu.memory_space<semaphore_mem>>
    %dma_wait3A_549 = tpu.memref_squeeze %dma_wait3A_548 : memref<1x!tpu.dma_semaphore, #tpu.memory_space<semaphore_mem>> -> memref<!tpu.dma_semaphore, #tpu.memory_space<semaphore_mem>>
    %dma_wait3A_550 = arith.constant 0 : i32
    %dma_wait3A_551 = tpu.memref_slice %arg4[%add3A_539, %dma_wait3A_550] : memref<819200x128xf32, #tpu.memory_space<hbm>> -> memref<128x128xf32, #tpu.memory_space<hbm>>
    %dma_wait3A_552 = arith.constant 0 : i32
    %dma_wait3A_553 = arith.constant 0 : i32
    %dma_wait3A_554 = tpu.memref_slice %arg7[%dma_wait3A_540, %dma_wait3A_552, %dma_wait3A_553] : memref<5x128x128xf32, #tpu.memory_space<vmem>> -> memref<1x128x128xf32, #tpu.memory_space<vmem>>
    %dma_wait3A_555 = tpu.memref_squeeze %dma_wait3A_554 : memref<1x128x128xf32, #tpu.memory_space<vmem>> -> memref<128x128xf32, #tpu.memory_space<vmem>>
    tpu.wait_dma2 semaphore(%dma_wait3A_549 : memref<!tpu.dma_semaphore, #tpu.memory_space<semaphore_mem>>) src(%dma_wait3A_555 : memref<128x128xf32, #tpu.memory_space<vmem>>) dst(%dma_wait3A_551 : memref<128x128xf32, #tpu.memory_space<hbm>>)
    %add3A_556 = arith.constant 25088 : i32
    %add3A_557 = arith.addi %mul3A_2, %add3A_556 : i32
    %dma_wait3A_558 = arith.constant 1 : i32
    %dma_wait3A_559 = arith.constant 1 : i32
    %dma_wait3A_560 = arith.constant 0 : i32
    %dma_wait3A_561 = arith.constant 0 : i32
    %dma_wait3A_562 = tpu.memref_slice %arg7[%dma_wait3A_558, %dma_wait3A_560, %dma_wait3A_561] : memref<5x128x128xf32, #tpu.memory_space<vmem>> -> memref<1x128x128xf32, #tpu.memory_space<vmem>>
    %dma_wait3A_563 = tpu.memref_squeeze %dma_wait3A_562 : memref<1x128x128xf32, #tpu.memory_space<vmem>> -> memref<128x128xf32, #tpu.memory_space<vmem>>
    %dma_wait3A_564 = arith.constant 0 : i32
    %dma_wait3A_565 = tpu.memref_slice %arg4[%add3A_557, %dma_wait3A_564] : memref<819200x128xf32, #tpu.memory_space<hbm>> -> memref<128x128xf32, #tpu.memory_space<hbm>>
    %dma_wait3A_566 = tpu.memref_slice %arg9[%dma_wait3A_559] : memref<5x!tpu.dma_semaphore, #tpu.memory_space<semaphore_mem>> -> memref<1x!tpu.dma_semaphore, #tpu.memory_space<semaphore_mem>>
    %dma_wait3A_567 = tpu.memref_squeeze %dma_wait3A_566 : memref<1x!tpu.dma_semaphore, #tpu.memory_space<semaphore_mem>> -> memref<!tpu.dma_semaphore, #tpu.memory_space<semaphore_mem>>
    %dma_wait3A_568 = arith.constant 0 : i32
    %dma_wait3A_569 = tpu.memref_slice %arg4[%add3A_557, %dma_wait3A_568] : memref<819200x128xf32, #tpu.memory_space<hbm>> -> memref<128x128xf32, #tpu.memory_space<hbm>>
    %dma_wait3A_570 = arith.constant 0 : i32
    %dma_wait3A_571 = arith.constant 0 : i32
    %dma_wait3A_572 = tpu.memref_slice %arg7[%dma_wait3A_558, %dma_wait3A_570, %dma_wait3A_571] : memref<5x128x128xf32, #tpu.memory_space<vmem>> -> memref<1x128x128xf32, #tpu.memory_space<vmem>>
    %dma_wait3A_573 = tpu.memref_squeeze %dma_wait3A_572 : memref<1x128x128xf32, #tpu.memory_space<vmem>> -> memref<128x128xf32, #tpu.memory_space<vmem>>
    tpu.wait_dma2 semaphore(%dma_wait3A_567 : memref<!tpu.dma_semaphore, #tpu.memory_space<semaphore_mem>>) src(%dma_wait3A_573 : memref<128x128xf32, #tpu.memory_space<vmem>>) dst(%dma_wait3A_569 : memref<128x128xf32, #tpu.memory_space<hbm>>)
    %add3A_574 = arith.constant 25216 : i32
    %add3A_575 = arith.addi %mul3A_2, %add3A_574 : i32
    %dma_wait3A_576 = arith.constant 2 : i32
    %dma_wait3A_577 = arith.constant 2 : i32
    %dma_wait3A_578 = arith.constant 0 : i32
    %dma_wait3A_579 = arith.constant 0 : i32
    %dma_wait3A_580 = tpu.memref_slice %arg7[%dma_wait3A_576, %dma_wait3A_578, %dma_wait3A_579] : memref<5x128x128xf32, #tpu.memory_space<vmem>> -> memref<1x128x128xf32, #tpu.memory_space<vmem>>
    %dma_wait3A_581 = tpu.memref_squeeze %dma_wait3A_580 : memref<1x128x128xf32, #tpu.memory_space<vmem>> -> memref<128x128xf32, #tpu.memory_space<vmem>>
    %dma_wait3A_582 = arith.constant 0 : i32
    %dma_wait3A_583 = tpu.memref_slice %arg4[%add3A_575, %dma_wait3A_582] : memref<819200x128xf32, #tpu.memory_space<hbm>> -> memref<128x128xf32, #tpu.memory_space<hbm>>
    %dma_wait3A_584 = tpu.memref_slice %arg9[%dma_wait3A_577] : memref<5x!tpu.dma_semaphore, #tpu.memory_space<semaphore_mem>> -> memref<1x!tpu.dma_semaphore, #tpu.memory_space<semaphore_mem>>
    %dma_wait3A_585 = tpu.memref_squeeze %dma_wait3A_584 : memref<1x!tpu.dma_semaphore, #tpu.memory_space<semaphore_mem>> -> memref<!tpu.dma_semaphore, #tpu.memory_space<semaphore_mem>>
    %dma_wait3A_586 = arith.constant 0 : i32
    %dma_wait3A_587 = tpu.memref_slice %arg4[%add3A_575, %dma_wait3A_586] : memref<819200x128xf32, #tpu.memory_space<hbm>> -> memref<128x128xf32, #tpu.memory_space<hbm>>
    %dma_wait3A_588 = arith.constant 0 : i32
    %dma_wait3A_589 = arith.constant 0 : i32
    %dma_wait3A_590 = tpu.memref_slice %arg7[%dma_wait3A_576, %dma_wait3A_588, %dma_wait3A_589] : memref<5x128x128xf32, #tpu.memory_space<vmem>> -> memref<1x128x128xf32, #tpu.memory_space<vmem>>
    %dma_wait3A_591 = tpu.memref_squeeze %dma_wait3A_590 : memref<1x128x128xf32, #tpu.memory_space<vmem>> -> memref<128x128xf32, #tpu.memory_space<vmem>>
    tpu.wait_dma2 semaphore(%dma_wait3A_585 : memref<!tpu.dma_semaphore, #tpu.memory_space<semaphore_mem>>) src(%dma_wait3A_591 : memref<128x128xf32, #tpu.memory_space<vmem>>) dst(%dma_wait3A_587 : memref<128x128xf32, #tpu.memory_space<hbm>>)
    %add3A_592 = arith.constant 25344 : i32
    %add3A_593 = arith.addi %mul3A_2, %add3A_592 : i32
    %dma_wait3A_594 = arith.constant 3 : i32
    %dma_wait3A_595 = arith.constant 3 : i32
    %dma_wait3A_596 = arith.constant 0 : i32
    %dma_wait3A_597 = arith.constant 0 : i32
    %dma_wait3A_598 = tpu.memref_slice %arg7[%dma_wait3A_594, %dma_wait3A_596, %dma_wait3A_597] : memref<5x128x128xf32, #tpu.memory_space<vmem>> -> memref<1x128x128xf32, #tpu.memory_space<vmem>>
    %dma_wait3A_599 = tpu.memref_squeeze %dma_wait3A_598 : memref<1x128x128xf32, #tpu.memory_space<vmem>> -> memref<128x128xf32, #tpu.memory_space<vmem>>
    %dma_wait3A_600 = arith.constant 0 : i32
    %dma_wait3A_601 = tpu.memref_slice %arg4[%add3A_593, %dma_wait3A_600] : memref<819200x128xf32, #tpu.memory_space<hbm>> -> memref<128x128xf32, #tpu.memory_space<hbm>>
    %dma_wait3A_602 = tpu.memref_slice %arg9[%dma_wait3A_595] : memref<5x!tpu.dma_semaphore, #tpu.memory_space<semaphore_mem>> -> memref<1x!tpu.dma_semaphore, #tpu.memory_space<semaphore_mem>>
    %dma_wait3A_603 = tpu.memref_squeeze %dma_wait3A_602 : memref<1x!tpu.dma_semaphore, #tpu.memory_space<semaphore_mem>> -> memref<!tpu.dma_semaphore, #tpu.memory_space<semaphore_mem>>
    %dma_wait3A_604 = arith.constant 0 : i32
    %dma_wait3A_605 = tpu.memref_slice %arg4[%add3A_593, %dma_wait3A_604] : memref<819200x128xf32, #tpu.memory_space<hbm>> -> memref<128x128xf32, #tpu.memory_space<hbm>>
    %dma_wait3A_606 = arith.constant 0 : i32
    %dma_wait3A_607 = arith.constant 0 : i32
    %dma_wait3A_608 = tpu.memref_slice %arg7[%dma_wait3A_594, %dma_wait3A_606, %dma_wait3A_607] : memref<5x128x128xf32, #tpu.memory_space<vmem>> -> memref<1x128x128xf32, #tpu.memory_space<vmem>>
    %dma_wait3A_609 = tpu.memref_squeeze %dma_wait3A_608 : memref<1x128x128xf32, #tpu.memory_space<vmem>> -> memref<128x128xf32, #tpu.memory_space<vmem>>
    tpu.wait_dma2 semaphore(%dma_wait3A_603 : memref<!tpu.dma_semaphore, #tpu.memory_space<semaphore_mem>>) src(%dma_wait3A_609 : memref<128x128xf32, #tpu.memory_space<vmem>>) dst(%dma_wait3A_605 : memref<128x128xf32, #tpu.memory_space<hbm>>)
    %add3A_610 = arith.constant 25472 : i32
    %add3A_611 = arith.addi %mul3A_2, %add3A_610 : i32
    %dma_wait3A_612 = arith.constant 4 : i32
    %dma_wait3A_613 = arith.constant 4 : i32
    %dma_wait3A_614 = arith.constant 0 : i32
    %dma_wait3A_615 = arith.constant 0 : i32
    %dma_wait3A_616 = tpu.memref_slice %arg7[%dma_wait3A_612, %dma_wait3A_614, %dma_wait3A_615] : memref<5x128x128xf32, #tpu.memory_space<vmem>> -> memref<1x128x128xf32, #tpu.memory_space<vmem>>
    %dma_wait3A_617 = tpu.memref_squeeze %dma_wait3A_616 : memref<1x128x128xf32, #tpu.memory_space<vmem>> -> memref<128x128xf32, #tpu.memory_space<vmem>>
    %dma_wait3A_618 = arith.constant 0 : i32
    %dma_wait3A_619 = tpu.memref_slice %arg4[%add3A_611, %dma_wait3A_618] : memref<819200x128xf32, #tpu.memory_space<hbm>> -> memref<128x128xf32, #tpu.memory_space<hbm>>
    %dma_wait3A_620 = tpu.memref_slice %arg9[%dma_wait3A_613] : memref<5x!tpu.dma_semaphore, #tpu.memory_space<semaphore_mem>> -> memref<1x!tpu.dma_semaphore, #tpu.memory_space<semaphore_mem>>
    %dma_wait3A_621 = tpu.memref_squeeze %dma_wait3A_620 : memref<1x!tpu.dma_semaphore, #tpu.memory_space<semaphore_mem>> -> memref<!tpu.dma_semaphore, #tpu.memory_space<semaphore_mem>>
    %dma_wait3A_622 = arith.constant 0 : i32
    %dma_wait3A_623 = tpu.memref_slice %arg4[%add3A_611, %dma_wait3A_622] : memref<819200x128xf32, #tpu.memory_space<hbm>> -> memref<128x128xf32, #tpu.memory_space<hbm>>
    %dma_wait3A_624 = arith.constant 0 : i32
    %dma_wait3A_625 = arith.constant 0 : i32
    %dma_wait3A_626 = tpu.memref_slice %arg7[%dma_wait3A_612, %dma_wait3A_624, %dma_wait3A_625] : memref<5x128x128xf32, #tpu.memory_space<vmem>> -> memref<1x128x128xf32, #tpu.memory_space<vmem>>
    %dma_wait3A_627 = tpu.memref_squeeze %dma_wait3A_626 : memref<1x128x128xf32, #tpu.memory_space<vmem>> -> memref<128x128xf32, #tpu.memory_space<vmem>>
    tpu.wait_dma2 semaphore(%dma_wait3A_621 : memref<!tpu.dma_semaphore, #tpu.memory_space<semaphore_mem>>) src(%dma_wait3A_627 : memref<128x128xf32, #tpu.memory_space<vmem>>) dst(%dma_wait3A_623 : memref<128x128xf32, #tpu.memory_space<hbm>>)
    return
  }
}

</mosaic_0001>

<sc_bundles>
// kernel: kernel.3.cloned.1.call-start
scs
__scs_entry_jumppad:
0x0: {  	(pc) =	sbr.rel $0x88, $3  }
0x1: {  	(tag) =	ssettag $0x0;
	lr =	simm.s32 $0x1  }
0x2: {  	[smem:$0x3F9F] =	sst lr;
	_ =	strace $0xD0000000  }
0x3: {  	_ = 	snop  }
0x4: {  	_ = 	snop  }
0x5: {  	_ = 	snop  }
0x6: {  	_ = 	snop  }
0x7: {  	_ = 	snop  }
__scs_overlays_trampoline_lowered:
0x8: {  	[smem:$0x3FAE] =	sst s0  }
0x9: {  	[smem:$0x3FAF] =	sst s1  }
0xa: {  	[smem:$0x3FB0] =	sst s2  }
0xb: {  	[smem:$0x3FB1] =	sst s3  }
0xc: {  	[smem:$0x3FB2] =	sst s4  }
0xd: {  	[smem:$0x3FB3] =	sst s5  }
0xe: {  	[smem:$0x3FB4] =	sst s6  }
0xf: {  	[smem:$0x3FB5] =	sst s7  }
0x10: {  	[smem:$0x3FB6] =	sst s8  }
0x11: {  	[smem:$0x3FB7] =	sst s9;
	s0 =	simm.s32 @!p0 $0x0  }
0x12: {  	s1 =	sld [smem:$0x3F9D];
	s0 =	simm.s32 @p0 $0x1  }
0x13: {  	[smem:$0x3FB8] =	sst s0;
	s0 =	simm.s32 @!p1 $0x0  }
0x14: {  	s2 =	sld [smem:$0x3F9C];
	s0 =	simm.s32 @p1 $0x1  }
0x15: {  	[smem:$0x3FB9] =	sst s0;
	s0 =	simm.s32 @!p2 $0x0  }
0x16: {  	s3 =	sld [smem:$0x3FDB];
	s0 =	simm.s32 @p2 $0x1  }
0x17: {  	s4 =	simm.s32 $0x1BF5;
	[smem:$0x3FBB] =	sst s0  }
0x18: {  	s0 =	sld [smem:$0x3F9E];
	_ =	swait.ge [sflag:s4], $0x0  }
0x19: {  	s7 =	sld [smem:$0x3F9F]  }
0x1a: {  	s8 =	sadd.s32 $0xFFFFE003, lr  }
0x1b: {  	s9 =	sadd.s32 $0xFFFFFEF7, lr;
	s5 =	simm.s32 $0xFFFFFFFF;
	p2 =	slt.u32 s8, $0xFFFFF086  }
0x1c: {  	p1 =	slt.u32 s9, $0xF7A;
	s5 =	simm.s32 @!p2 $0x0  }
0x1d: {  	s5 =	simm.s32 @p1 $0x1;
	p0 =	seq.s32 s7, s2  }
0x1e: {  	s7 =	smul.u32 @!p0 $0xF7A, s2;
	p2 =	seq.s32 @!p0 s5, $0x0  }
0x1f: {  	s9 =	smul.u32 $0xF7A, s1;
	s8 =	simm.s32 @!p0 $0x1BF5;
	p2 =	por !p2, p0  }
0x20: {  	[sflag:s8] =	ssyncset.s32 @!p0 $0xFFFFF086;
	s6 =	sadd.s32 @!p0 s3, s7;
	s7 =	simm.s32 @!p0 $0x108  }
0x21: {  	s3 =	sadd.s32 s3, s9;
	s6 =	sadd.s32 @!p0 $0x88, s6;
	s7 =	simm.s32 @p2 $0x1082  }
0x22: {  	[simem:s7], [sflag:s8] =	dma.local @!p0 [hbm:s6], $0xF7A  }
0x23: {  	s9 =	sor.u32 $0xD0000000, s2;
	s6 =	simm.s32 $0x108;
	_ =	swait.ge @!p0 [sflag:s8], $0x0  }
0x24: {  	s3 =	sadd.s32 $0x88, s3;
	s6 =	simm.s32 @!p1 $0x1082;
	[sflag:s4] =	ssyncset.s32 $0xFFFFF086  }
0x25: {  	[simem:s6], [sflag:s4] =	dma.local [hbm:s3], $0xF7A  }
0x26: {  	[smem:$0x3F9F] =	sst s1;
	(tag) =	ssettag s2;
	_ =	strace s9  }
0x27: {  	s1 =	sld [smem:$0x3FAF]  }
0x28: {  	s2 =	sld [smem:$0x3FB0]  }
0x29: {  	s4 =	sld [smem:$0x3FB2]  }
0x2a: {  	p0 =	seq.s32 s5, $0x0;
	s5 =	sld [smem:$0x3FB3]  }
0x2b: {  	s6 =	sld [smem:$0x3FB4]  }
0x2c: {  	s7 =	sld [smem:$0x3FB5]  }
0x2d: {  	s3 =	simm.s32 $0x108;
	s8 =	sld [smem:$0x3FB6]  }
0x2e: {  	s3 =	simm.s32 @!p0 $0x1082;
	s9 =	sld [smem:$0x3FB7]  }
0x2f: {  	lr =	sadd.s32 s0, s3;
	s0 =	sld [smem:$0x3FAE]  }
0x30: {  	s3 =	sld [smem:$0x3FB1]  }
0x31: {  	[smem:$0x3FBA] =	sst s10  }
0x32: {  	s10 =	sld [smem:$0x3FB8];
	_ =	sdelay $0x3  }
0x33: {  	p0 =	seq.s32 s10, $0x1;
	s10 =	sld [smem:$0x3FBA];
	_ =	sdelay $0x3  }
0x34: {  	[smem:$0x3FBA] =	sst s10  }
0x35: {  	s10 =	sld [smem:$0x3FB9];
	_ =	sdelay $0x3  }
0x36: {  	p1 =	seq.s32 s10, $0x1;
	s10 =	sld [smem:$0x3FBA];
	_ =	sdelay $0x3  }
0x37: {  	[smem:$0x3FBA] =	sst s10  }
0x38: {  	s10 =	sld [smem:$0x3FBB]  }
0x39: {  	_ = 	snop;
	(pc) =	sbr.ind lr, $3  }
0x3a: {  	_ = 	snop  }
0x3b: {  	_ = 	snop  }
0x3c: {  	p2 =	seq.s32 s10, $0x1;
	s10 =	sld [smem:$0x3FBA]  }
0x3d: {  	_ =	shalt  }
0x3e: {  	_ =	shalt  }
0x3f: {  	_ =	shalt  }
0x40: {  	_ =	shalt  }
0x41: {  	_ =	shalt  }
0x42: {  	_ =	shalt  }
0x43: {  	_ =	shalt  }
0x44: {  	_ =	shalt  }
0x45: {  	_ =	shalt  }
0x46: {  	_ =	shalt  }
0x47: {  	_ =	shalt  }
0x48: {  	_ =	shalt  }
0x49: {  	_ =	shalt  }
0x4a: {  	_ =	shalt  }
0x4b: {  	_ =	shalt  }
0x4c: {  	_ =	shalt  }
0x4d: {  	_ =	shalt  }
0x4e: {  	_ =	shalt  }
0x4f: {  	_ =	shalt  }
0x50: {  	_ =	shalt  }
0x51: {  	_ =	shalt  }
0x52: {  	_ =	shalt  }
0x53: {  	_ =	shalt  }
0x54: {  	_ =	shalt  }
0x55: {  	_ =	shalt  }
0x56: {  	_ =	shalt  }
0x57: {  	_ =	shalt  }
0x58: {  	_ =	shalt  }
0x59: {  	_ =	shalt  }
0x5a: {  	_ =	shalt  }
0x5b: {  	_ =	shalt  }
0x5c: {  	_ =	shalt  }
0x5d: {  	_ =	shalt  }
0x5e: {  	_ =	shalt  }
0x5f: {  	_ =	shalt  }
0x60: {  	_ =	shalt  }
0x61: {  	_ =	shalt  }
0x62: {  	_ =	shalt  }
0x63: {  	_ =	shalt  }
0x64: {  	_ =	shalt  }
0x65: {  	_ =	shalt  }
0x66: {  	_ =	shalt  }
0x67: {  	_ =	shalt  }
0x68: {  	_ =	shalt  }
0x69: {  	_ =	shalt  }
0x6a: {  	_ =	shalt  }
0x6b: {  	_ =	shalt  }
0x6c: {  	_ =	shalt  }
0x6d: {  	_ =	shalt  }
0x6e: {  	_ =	shalt  }
0x6f: {  	_ =	shalt  }
0x70: {  	_ =	shalt  }
0x71: {  	_ =	shalt  }
0x72: {  	_ =	shalt  }
0x73: {  	_ =	shalt  }
0x74: {  	_ =	shalt  }
0x75: {  	_ =	shalt  }
0x76: {  	_ =	shalt  }
0x77: {  	_ =	shalt  }
0x78: {  	_ =	shalt  }
0x79: {  	_ =	shalt  }
0x7a: {  	_ =	shalt  }
0x7b: {  	_ =	shalt  }
0x7c: {  	_ =	shalt  }
0x7d: {  	_ =	shalt  }
0x7e: {  	_ =	shalt  }
0x7f: {  	_ =	shalt  }
0x80: {  	_ =	shalt  }
0x81: {  	_ =	shalt  }
0x82: {  	_ =	shalt  }
0x83: {  	_ =	shalt  }
0x84: {  	_ =	shalt  }
0x85: {  	_ =	shalt  }
0x86: {  	_ =	shalt  }
0x87: {  	_ =	shalt  }
.Lfunc_end0:
.L_simem_size_0:
called_computation_lowered:
.L_overlay_start_0:
0x88: {  	s2 =	sld [smem:$0x3FD9]  }
0x89: {  	s3 =	sld [smem:$0x3FFE];
	_ =	sdelay $0x1  }
0x8a: {  	s1 =	srdreg.scid  }
0x8b: {  	s0 =	sand.u32 $0x1, s1  }
0x8c: {  	s17 =	sshll.u32 s0, $0xA;
	s2 =	sadd.s32 s3, s2  }
0x8d: {  	s2 =	sadd.s32 s2, s17  }
0x8e: {  	[smem:$0x3FC6] =	sst s2  }
0x8f: {  	_ = 	snop  }
0x90: {  	s2 =	sld [smem:$0x3FC8]  }
0x91: {  	s18 =	sld [smem:$0x3FD0];
	(tm) =	ssettm $0x1  }
0x92: {  	s4 =	sld [smem:$0x3FFB];
	_ =	sdelay $0x3  }
0x93: {  	_ =	strace s4  }
0x94: {  	s4 =	sld [smem:$0x3FFC];
	_ =	sdelay $0x3  }
0x95: {  	_ =	strace s4  }
0x96: {  	s4 =	sld [smem:$0x3FFD];
	_ =	sdelay $0x3  }
0x97: {  	_ =	strace s4  }
0x98: {  	_ =	strace $0x8FFFFFFF  }
0x99: {  	s19 =	sld [smem:$0x3FDB];
	_ =	sdelay $0x1  }
0x9a: {  	s5 =	simm.s32 $_scs_section_size  }
0x9b: {  	s6 =	simm.s32 $_size__tile_overlayer_lowered;
	s7 =	simm.s32 $_tile_overlayer_lowered  }
0x9c: {  	s22 =	simm.s32 $0x1BFF;
	s21 =	sshll.u32 s7, $0x1;
	s4 =	sadd.s32 s5, s19  }
0x9d: {  	s8 =	simm.s32 $0x0;
	s20 =	sshll.u32 s6, $0x1;
	s6 =	sadd.s32 s21, s4  }
0x9e: {  	[timem:s8], [sflag:s22] =	dma.local [hbm:s6], s20  }
0x9f: {  	_ =	swait.ge [sflag:s22], s20  }
0xa0: {  	s5 =	ssub.s32 $0x0, s20;
	[sflag:s22] =	ssyncset.done $0x0  }
0xa1: {  	[sflag:s22] =	ssyncadd.s32 s5;
	_ =	sdelay $0x1  }
0xa2: {  	s23 =	simm.s32 $0x1B8B  }
0xa3: {  	_ =	swait.ge [sflag:s23], $0x1  }
0xa4: {  	[sflag:s23] =	ssyncset.done $0x0  }
0xa5: {  	s25 =	simm.s32 $0x1B8E;
	s24 =	sld [smem:$0x3FFE];
	[sflag:s23] =	ssyncadd.s32 $0xFFFFFFFF  }
0xa6: {  	s26 =	simm.s32 $execute0_lowered;
	[smem:$0x3FD2] =	sst s25  }
0xa7: {  	s6 =	sshll.u32 s26, $0x1;
	_ =	strace $0x80000046;
	[dreg:$0x1] =	wrdreg $0xFFFFFFFF  }
0xa8: {  	s28 =	simm.s32 $_size_execute0_lowered;
	s4 =	sadd.s32 s4, s6;
	[dreg:$0x0] =	wrdreg $0x0  }
0xa9: {  	s6 =	sshll.u32 s28, $0x1;
	[dreg:$0x2] =	wrdreg s4  }
0xaa: {  	[dreg:$0x3] =	wrdreg s6  }
0xab: {  	[dreg:$0x4] =	wrdreg $0xC0  }
0xac: {  	_ =	task [dreg:s8], $0x5FFFF  }
0xad: {  	[dreg:$0x1] =	wrdreg $0xFFFFFFFF  }
0xae: {  	[dreg:$0x0] =	wrdreg $0x60  }
0xaf: {  	[dreg:$0x2] =	wrdreg s24  }
0xb0: {  	[dreg:$0x3] =	wrdreg s2  }
0xb1: {  	[dreg:$0x4] =	wrdreg s18  }
0xb2: {  	[dreg:$0x5] =	wrdreg $0x0  }
0xb3: {  	[dreg:$0x6] =	wrdreg $0x9  }
0xb4: {  	_ =	task.clear_ibuf [dreg:s8], $0x7FFFF;
	_ =	strace $0x90000046  }
0xb5: {  	s29 =	simm.s32 $0x9;
	_ =	strace $0x80000048  }
0xb6: {  	_ =	swait.ge [sflag:s29], $0x1  }
0xb7: {  	[sflag:s29] =	ssyncadd.s32 $0xFFFFFFFF  }
0xb8: {  	_ =	strace $0x90000048  }
0xb9: {  	_ =	sfence  }
0xba: {  	s30 =	sld [smem:$0x0];
	_ =	sdelay $0x2  }
0xbb: {  	s31 =	sshll.u32 s1, $0xD;
	s1 =	sshrl.u32 s1, $0x2  }
0xbc: {  	s3 =	sand.u32 $0x4000, s31;
	s1 =	sadd.s32 s1, s30  }
0xbd: {  	s0 =	sor.u32 s3, s0;
	s1 =	sshll.u32 s1, $0x11  }
0xbe: {  	s0 =	sor.u32 s1, s0  }
0xbf: {  	s0 =	sadd.s32 $0x8F2B, s0  }
0xc0: {  	[sflag:s0] =	ssyncadd.remote.s32 $0x1  }
0xc1: {  	_ =	sfence.sel $0xFFFF  }
0xc2: {  	[dreg:$0x0] =	wrdreg $0xFFFFFFFF;
	(pc) =	sbr.abs _section_cstart, $3  }
0xc3: {  	[dreg:$0x1] =	wrdreg $0xFFFFFFFF  }
0xc4: {  	_ =	task.clear_ibuf [dreg:s8], $0x2FFFF;
	_ =	strace $0x9FFFFFFF  }
0xc5: {  	(tm) =	ssettm $0x7FFFFFFF  }
tec
execute0_lowered:
.L_overlay_start_1:
0x0: {  	(tag) =	ssettag $0x1  }
0x1: {  	s0 =	rddreg [dreg:$0x0]  }
0x2: {  	s1 =	rddreg [dreg:$0x2]  }
0x3: {  	s3 =	srdreg.scid;
	s5 =	stileid.u32  }
0x4: {  	s2 =	rddreg [dreg:$0x3];
	s28 =	simm.s32 $0x12F78;
	s29 =	simm.s32 $0x1  }
0x5: {  	s31 =	simm.s32 $0x16F78;
	s30 =	simm.s32 $0x8;
	s6 =	sand.u32 $0x1, s3  }
0x6: {  	s4 =	sshll.u32 s5, $0x1;
	s3 =	simm.s32 $0x0;
	s23 =	smul.u32 $0xC8000, s5  }
0x7: {  	s4 =	sor.u32 s6, s4;
	s8 =	ssub.s32 $0x2, s6;
	s6 =	smul.u32 $0x64000, s6  }
0x8: {  	p0 =	sne.s32 s5, $0x0;
	[smem:$0x7FF] =	sst s3;
	s7 =	smul.u32 $0x6400, s4  }
0x9: {  	s5 =	simm.s32 $0x5;
	_ =	strace $0x80000047;
	s9 =	smul.u32 $0x64000, s4  }
0xa: {  	s10 =	sshrl.u32 s8, $0x1;
	s11 =	smul.u32 $0x320000, s4;
	s26 =	sadd.s32 s23, s1  }
0xb: {  	s23 =	simm.s32 $0xAF78;
	s16 =	ssub.s32 s8, s10;
	s4 =	sadd.s32 s1, s9  }
0xc: {  	s8 =	simm.s32 $0x0;
	s7 =	sshrl.u32 s7, $0x3;
	s17 =	sadd.s32 $0x800, s4  }
0xd: {  	s18 =	sshrl.u32 s11, $0x3;
	s19 =	sadd.s32 $0x1000, s4;
	[dreg:$0x6] =	wrdreg s17  }
0xe: {  	s15 =	smax.u32 s16, $0x1;
	s20 =	sadd.s32 $0x1800, s4;
	[dreg:$0x7] =	wrdreg s19  }
0xf: {  	s0 =	sadd.s32 s7, s0;
	s21 =	sadd.s32 $0x2000, s4;
	[dreg:$0x8] =	wrdreg s20  }
0x10: {  	s7 =	simm.s32 $0xA;
	s0 =	sadd.s32 $0x400, s0;
	[dreg:$0x9] =	wrdreg s21  }
0x11: {  	s17 =	sshrl.u32 @!p0 s2, $0x3;
	s19 =	simm.s32 $0xB;
	s20 =	simm.s32 $0x80  }
0x12: {  	s21 =	simm.s32 $0x6F78;
	[dreg:$0x5] =	wrdreg s0;
	s0 =	sadd.s32 s1, s18  }
0x13: {  	s18 =	simm.s32 $0xB78;
	s1 =	simm.s32 $0x2;
	s22 =	sadd.s32 $0x61800, s0  }
0x14: {  	s24 =	sadd.s32 $0x62000, s0;
	s25 =	sadd.s32 $0x62800, s0;
	s13 =	sadd.s32 $0x63000, s0  }
0x15: {  	s14 =	sadd.s32 $0x63800, s0;
	s0 =	sadd.s32 s6, s26;
	[dreg:$0xa] =	wrdreg s22  }
0x16: {  	s26 =	simm.s32 $0x7;
	s6 =	simm.s32 $0x9;
	[dreg:$0xb] =	wrdreg s24  }
0x17: {  	[dreg:$0xc] =	wrdreg s25;
	s16 =	sadd.s32 $0x4800, s0;
	s25 =	simm.s32 $0xEF78  }
0x18: {  	s0 =	simm.s32 $0x6;
	s24 =	simm.s32 $0x3;
	s22 =	simm.s32 $0x4  }
.LBB2_1:
0x19: {  	s9 =	simm.s32 @!p0 $0x1C0B;
	s10 =	rddreg [dreg:$0x1]  }
0x1a: {  	[spmem:s17], [sflag:s9] =	dma.local @!p0 [hbm:s10], $0x16F0  }
0x1b: {  	s9 =	simm.s32 @!p0 $0xB  }
0x1c: {  	_ =	swait.ge @!p0 [sflag:s9], $0x16F0  }
0x1d: {  	[sflag:s9] =	ssyncset.done @!p0 $0x0  }
0x1e: {  	s10 =	rddreg [dreg:$0x5];
	[sflag:s9] =	ssyncadd.s32 @!p0 $0xFFFFE910  }
0x1f: {  	[tilespmem:s18], [sflag:$0xB] =	stream.linear.gather [hbm4b:s10+s3], $0x6400, $0x38;
	[tilespmem:$0x1AF78] =	vst v63  }
0x20: {  	_ =	swait.ge [sflag:s19], $0x6400  }
0x21: {  	[sflag:s19] =	ssyncset.done $0x0  }
0x22: {  	[sflag:s19] =	ssyncadd.s32 $0xFFFF9C00  }
0x23: {  	[bflag:$0x0] =	sbarrier.arrive $0xFFFF  }
0x24: {  	[tilespmem:s21], [sflag:$0x1] =	stream.indirect.gather [spmem:s2], $0x80, s18, s20, $0xb8;
	[tilespmem:$0x1AF78] =	vst v63  }
0x25: {  	s11 =	simm.s32 $0xBF8  }
0x26: {  	[tilespmem:s23], [sflag:$0x2] =	stream.indirect.gather [spmem:s2], $0x80, s11, s20, $0xb8;
	[tilespmem:$0x1AF78] =	vst v63  }
0x27: {  	s12 =	simm.s32 $0xC78  }
0x28: {  	[tilespmem:s25], [sflag:$0x3] =	stream.indirect.gather [spmem:s2], $0x80, s12, s20, $0xb8;
	[tilespmem:$0x1AF78] =	vst v63  }
0x29: {  	s10 =	simm.s32 $0xCF8  }
0x2a: {  	[tilespmem:s28], [sflag:$0x4] =	stream.indirect.gather [spmem:s2], $0x80, s10, s20, $0xb8;
	[tilespmem:$0x1AF78] =	vst v63  }
0x2b: {  	_ =	swait.ge [sflag:s29], $0x4000  }
0x2c: {  	[sflag:s29] =	ssyncset.done $0x0  }
0x2d: {  	[sflag:s29] =	ssyncadd.s32 $0xFFFFC000  }
0x2e: {  	[hbm4b:s4+s3] =	stream.linear.scatter [tilespmem:s21], [sflag:$0x6], $0x4000, $0x38;
	[tilespmem:$0x1AF78] =	vst v63  }
0x2f: {  	s11 =	simm.s32 $0xD78  }
0x30: {  	[tilespmem:s31], [sflag:$0x5] =	stream.indirect.gather [spmem:s2], $0x80, s11, s20, $0xb8;
	[tilespmem:$0x1AF78] =	vst v63  }
0x31: {  	_ =	swait.ge [sflag:s1], $0x4000  }
0x32: {  	[sflag:s1] =	ssyncset.done $0x0  }
0x33: {  	s12 =	rddreg [dreg:$0x6];
	[sflag:s1] =	ssyncadd.s32 $0xFFFFC000  }
0x34: {  	[hbm4b:s12+s3] =	stream.linear.scatter [tilespmem:s23], [sflag:$0x7], $0x4000, $0x38;
	[tilespmem:$0x1AF78] =	vst v63  }
0x35: {  	_ =	swait.ge [sflag:s0], $0x4000  }
0x36: {  	[sflag:s0] =	ssyncset.done $0x0  }
0x37: {  	s10 =	simm.s32 $0xDF8;
	[sflag:s0] =	ssyncadd.s32 $0xFFFFC000  }
0x38: {  	[tilespmem:s21], [sflag:$0x1] =	stream.indirect.gather [spmem:s2], $0x80, s10, s20, $0xb8;
	[tilespmem:$0x1AF78] =	vst v63  }
0x39: {  	_ =	swait.ge [sflag:s24], $0x4000  }
0x3a: {  	[sflag:s24] =	ssyncset.done $0x0  }
0x3b: {  	s11 =	rddreg [dreg:$0x7];
	[sflag:s24] =	ssyncadd.s32 $0xFFFFC000  }
0x3c: {  	[hbm4b:s11+s3] =	stream.linear.scatter [tilespmem:s25], [sflag:$0x8], $0x4000, $0x38;
	[tilespmem:$0x1AF78] =	vst v63  }
0x3d: {  	_ =	swait.ge [sflag:s26], $0x4000  }
0x3e: {  	[sflag:s26] =	ssyncset.done $0x0  }
0x3f: {  	s12 =	simm.s32 $0xE78;
	[sflag:s26] =	ssyncadd.s32 $0xFFFFC000  }
0x40: {  	[tilespmem:s23], [sflag:$0x2] =	stream.indirect.gather [spmem:s2], $0x80, s12, s20, $0xb8;
	[tilespmem:$0x1AF78] =	vst v63  }
0x41: {  	_ =	swait.ge [sflag:s22], $0x4000  }
0x42: {  	[sflag:s22] =	ssyncset.done $0x0  }
0x43: {  	s10 =	rddreg [dreg:$0x8];
	[sflag:s22] =	ssyncadd.s32 $0xFFFFC000  }
0x44: {  	[hbm4b:s10+s3] =	stream.linear.scatter [tilespmem:s28], [sflag:$0x9], $0x4000, $0x38;
	[tilespmem:$0x1AF78] =	vst v63  }
0x45: {  	_ =	swait.ge [sflag:s30], $0x4000  }
0x46: {  	[sflag:s30] =	ssyncset.done $0x0  }
0x47: {  	s11 =	simm.s32 $0xEF8;
	[sflag:s30] =	ssyncadd.s32 $0xFFFFC000  }
0x48: {  	[tilespmem:s25], [sflag:$0x3] =	stream.indirect.gather [spmem:s2], $0x80, s11, s20, $0xb8;
	[tilespmem:$0x1AF78] =	vst v63  }
0x49: {  	_ =	swait.ge [sflag:s5], $0x4000  }
0x4a: {  	[sflag:s5] =	ssyncset.done $0x0  }
0x4b: {  	s12 =	rddreg [dreg:$0x9];
	[sflag:s5] =	ssyncadd.s32 $0xFFFFC000  }
0x4c: {  	[hbm4b:s12+s3] =	stream.linear.scatter [tilespmem:s31], [sflag:$0xA], $0x4000, $0x38;
	[tilespmem:$0x1AF78] =	vst v63  }
0x4d: {  	_ =	swait.ge [sflag:s6], $0x4000  }
0x4e: {  	[sflag:s6] =	ssyncset.done $0x0  }
0x4f: {  	s10 =	simm.s32 $0xF78;
	[sflag:s6] =	ssyncadd.s32 $0xFFFFC000  }
0x50: {  	[tilespmem:s28], [sflag:$0x4] =	stream.indirect.gather [spmem:s2], $0x80, s10, s20, $0xb8;
	[tilespmem:$0x1AF78] =	vst v63  }
0x51: {  	_ =	swait.ge [sflag:s29], $0x4000  }
0x52: {  	[sflag:s29] =	ssyncset.done $0x0  }
0x53: {  	s11 =	sadd.s32 $0xFFFFE000, s16;
	[sflag:s29] =	ssyncadd.s32 $0xFFFFC000  }
0x54: {  	[hbm4b:s11+s3] =	stream.linear.scatter [tilespmem:s21], [sflag:$0x6], $0x4000, $0x38;
	[tilespmem:$0x1AF78] =	vst v63  }
0x55: {  	_ =	swait.ge [sflag:s7], $0x4000  }
0x56: {  	[sflag:s7] =	ssyncset.done $0x0  }
0x57: {  	s12 =	simm.s32 $0xFF8;
	[sflag:s7] =	ssyncadd.s32 $0xFFFFC000  }
0x58: {  	[tilespmem:s31], [sflag:$0x5] =	stream.indirect.gather [spmem:s2], $0x80, s12, s20, $0xb8;
	[tilespmem:$0x1AF78] =	vst v63  }
0x59: {  	_ =	swait.ge [sflag:s1], $0x4000  }
0x5a: {  	[sflag:s1] =	ssyncset.done $0x0  }
0x5b: {  	s10 =	sadd.s32 $0xFFFFE800, s16;
	[sflag:s1] =	ssyncadd.s32 $0xFFFFC000  }
0x5c: {  	[hbm4b:s10+s3] =	stream.linear.scatter [tilespmem:s23], [sflag:$0x7], $0x4000, $0x38;
	[tilespmem:$0x1AF78] =	vst v63  }
0x5d: {  	_ =	swait.ge [sflag:s0], $0x4000  }
0x5e: {  	[sflag:s0] =	ssyncset.done $0x0  }
0x5f: {  	s11 =	simm.s32 $0x1078;
	[sflag:s0] =	ssyncadd.s32 $0xFFFFC000  }
0x60: {  	[tilespmem:s21], [sflag:$0x1] =	stream.indirect.gather [spmem:s2], $0x80, s11, s20, $0xb8;
	[tilespmem:$0x1AF78] =	vst v63  }
0x61: {  	_ =	swait.ge [sflag:s24], $0x4000  }
0x62: {  	[sflag:s24] =	ssyncset.done $0x0  }
0x63: {  	s12 =	sadd.s32 $0xFFFFF000, s16;
	[sflag:s24] =	ssyncadd.s32 $0xFFFFC000  }
0x64: {  	[hbm4b:s12+s3] =	stream.linear.scatter [tilespmem:s25], [sflag:$0x8], $0x4000, $0x38;
	[tilespmem:$0x1AF78] =	vst v63  }
0x65: {  	_ =	swait.ge [sflag:s26], $0x4000  }
0x66: {  	[sflag:s26] =	ssyncset.done $0x0  }
0x67: {  	s10 =	simm.s32 $0x10F8;
	[sflag:s26] =	ssyncadd.s32 $0xFFFFC000  }
0x68: {  	[tilespmem:s23], [sflag:$0x2] =	stream.indirect.gather [spmem:s2], $0x80, s10, s20, $0xb8;
	[tilespmem:$0x1AF78] =	vst v63  }
0x69: {  	_ =	swait.ge [sflag:s22], $0x4000  }
0x6a: {  	[sflag:s22] =	ssyncset.done $0x0  }
0x6b: {  	s11 =	sadd.s32 $0xFFFFF800, s16;
	[sflag:s22] =	ssyncadd.s32 $0xFFFFC000  }
0x6c: {  	[hbm4b:s11+s3] =	stream.linear.scatter [tilespmem:s28], [sflag:$0x9], $0x4000, $0x38;
	[tilespmem:$0x1AF78] =	vst v63  }
0x6d: {  	_ =	swait.ge [sflag:s30], $0x4000  }
0x6e: {  	[sflag:s30] =	ssyncset.done $0x0  }
0x6f: {  	s12 =	simm.s32 $0x1178;
	[sflag:s30] =	ssyncadd.s32 $0xFFFFC000  }
0x70: {  	[tilespmem:s25], [sflag:$0x3] =	stream.indirect.gather [spmem:s2], $0x80, s12, s20, $0xb8;
	[tilespmem:$0x1AF78] =	vst v63  }
0x71: {  	_ =	swait.ge [sflag:s5], $0x4000  }
0x72: {  	[sflag:s5] =	ssyncset.done $0x0  }
0x73: {  	[sflag:s5] =	ssyncadd.s32 $0xFFFFC000  }
0x74: {  	[hbm4b:s16+s3] =	stream.linear.scatter [tilespmem:s31], [sflag:$0xA], $0x4000, $0x38;
	[tilespmem:$0x1AF78] =	vst v63  }
0x75: {  	_ =	swait.ge [sflag:s6], $0x4000  }
0x76: {  	s9 =	simm.s32 $0xA00;
	[sflag:s6] =	ssyncset.done $0x0  }
0x77: {  	s10 =	sadd.s32 $0x2800, s16;
	s11 =	simm.s32 $0x11F8;
	[sflag:s6] =	ssyncadd.s32 $0xFFFFC000  }
.LBB2_2:
0x78: {  	[tilespmem:s28], [sflag:$0x4] =	stream.indirect.gather [spmem:s2], $0x80, s11, s20, $0xb8;
	[tilespmem:$0x1AF78] =	vst v63  }
0x79: {  	s11 =	smov.u32 s9  }
0x7a: {  	p1 =	sne.s32 s9, $0x17200;
	s9 =	sadd.s32 $0xA00, s9;
	_ =	swait.ge [sflag:s29], $0x4000  }
0x7b: {  	[sflag:s29] =	ssyncset.done $0x0  }
0x7c: {  	s12 =	sadd.s32 $0xFFFFE000, s10;
	[sflag:s29] =	ssyncadd.s32 $0xFFFFC000  }
0x7d: {  	[hbm4b:s12+s3] =	stream.linear.scatter [tilespmem:s21], [sflag:$0x6], $0x4000, $0x38;
	[tilespmem:$0x1AF78] =	vst v63  }
0x7e: {  	_ =	swait.ge [sflag:s7], $0x4000  }
0x7f: {  	s11 =	sshra.s32 s11, $0x2;
	[sflag:s7] =	ssyncset.done $0x0  }
0x80: {  	s12 =	sadd.s32 $0xFF8, s11;
	[sflag:s7] =	ssyncadd.s32 $0xFFFFC000  }
0x81: {  	[tilespmem:s31], [sflag:$0x5] =	stream.indirect.gather [spmem:s2], $0x80, s12, s20, $0xb8;
	[tilespmem:$0x1AF78] =	vst v63  }
0x82: {  	_ =	swait.ge [sflag:s1], $0x4000  }
0x83: {  	[sflag:s1] =	ssyncset.done $0x0  }
0x84: {  	s12 =	sadd.s32 $0xFFFFE800, s10;
	[sflag:s1] =	ssyncadd.s32 $0xFFFFC000  }
0x85: {  	[hbm4b:s12+s3] =	stream.linear.scatter [tilespmem:s23], [sflag:$0x7], $0x4000, $0x38;
	[tilespmem:$0x1AF78] =	vst v63  }
0x86: {  	_ =	swait.ge [sflag:s0], $0x4000  }
0x87: {  	[sflag:s0] =	ssyncset.done $0x0  }
0x88: {  	s12 =	sadd.s32 $0x1078, s11;
	[sflag:s0] =	ssyncadd.s32 $0xFFFFC000  }
0x89: {  	[tilespmem:s21], [sflag:$0x1] =	stream.indirect.gather [spmem:s2], $0x80, s12, s20, $0xb8;
	[tilespmem:$0x1AF78] =	vst v63  }
0x8a: {  	_ =	swait.ge [sflag:s24], $0x4000  }
0x8b: {  	[sflag:s24] =	ssyncset.done $0x0  }
0x8c: {  	s12 =	sadd.s32 $0xFFFFF000, s10;
	[sflag:s24] =	ssyncadd.s32 $0xFFFFC000  }
0x8d: {  	[hbm4b:s12+s3] =	stream.linear.scatter [tilespmem:s25], [sflag:$0x8], $0x4000, $0x38;
	[tilespmem:$0x1AF78] =	vst v63  }
0x8e: {  	_ =	swait.ge [sflag:s26], $0x4000  }
0x8f: {  	[sflag:s26] =	ssyncset.done $0x0  }
0x90: {  	s12 =	sadd.s32 $0x10F8, s11;
	[sflag:s26] =	ssyncadd.s32 $0xFFFFC000  }
0x91: {  	[tilespmem:s23], [sflag:$0x2] =	stream.indirect.gather [spmem:s2], $0x80, s12, s20, $0xb8;
	[tilespmem:$0x1AF78] =	vst v63  }
0x92: {  	_ =	swait.ge [sflag:s22], $0x4000  }
0x93: {  	[sflag:s22] =	ssyncset.done $0x0  }
0x94: {  	s12 =	sadd.s32 $0xFFFFF800, s10;
	[sflag:s22] =	ssyncadd.s32 $0xFFFFC000  }
0x95: {  	[hbm4b:s12+s3] =	stream.linear.scatter [tilespmem:s28], [sflag:$0x9], $0x4000, $0x38;
	[tilespmem:$0x1AF78] =	vst v63  }
0x96: {  	_ =	swait.ge [sflag:s30], $0x4000  }
0x97: {  	[sflag:s30] =	ssyncset.done $0x0  }
0x98: {  	s12 =	sadd.s32 $0x1178, s11;
	[sflag:s30] =	ssyncadd.s32 $0xFFFFC000  }
0x99: {  	[tilespmem:s25], [sflag:$0x3] =	stream.indirect.gather [spmem:s2], $0x80, s12, s20, $0xb8;
	[tilespmem:$0x1AF78] =	vst v63  }
0x9a: {  	_ =	swait.ge [sflag:s5], $0x4000  }
0x9b: {  	[sflag:s5] =	ssyncset.done $0x0  }
.Ltmp0:
0x9c: {  	[sflag:s5] =	ssyncadd.s32 $0xFFFFC000;
	(pc) =	sbr.rel @p1 .LBB2_2-.Ltmp0, $4  }
0x9d: {  	[hbm4b:s10+s3] =	stream.linear.scatter [tilespmem:s31], [sflag:$0xA], $0x4000, $0x38;
	[tilespmem:$0x1AF78] =	vst v63  }
0x9e: {  	_ =	swait.ge [sflag:s6], $0x4000  }
0x9f: {  	[sflag:s6] =	ssyncset.done $0x0  }
0xa0: {  	s11 =	sadd.s32 $0x11F8, s11;
	s10 =	sadd.s32 $0x2800, s10;
	[sflag:s6] =	ssyncadd.s32 $0xFFFFC000  }
0xa1: {  	[tilespmem:s28], [sflag:$0x4] =	stream.indirect.gather [spmem:s2], $0x80, s11, s20, $0xb8;
	[tilespmem:$0x1AF78] =	vst v63  }
0xa2: {  	_ =	swait.ge [sflag:s29], $0x4000  }
0xa3: {  	[sflag:s29] =	ssyncset.done $0x0  }
0xa4: {  	s9 =	rddreg [dreg:$0xa];
	[sflag:s29] =	ssyncadd.s32 $0xFFFFC000  }
0xa5: {  	[hbm4b:s9+s3] =	stream.linear.scatter [tilespmem:s21], [sflag:$0x6], $0x4000, $0x38;
	[tilespmem:$0x1AF78] =	vst v63  }
0xa6: {  	_ =	swait.ge [sflag:s7], $0x4000  }
0xa7: {  	[sflag:s7] =	ssyncset.done $0x0  }
0xa8: {  	s10 =	simm.s32 $0x6EF8;
	[sflag:s7] =	ssyncadd.s32 $0xFFFFC000  }
0xa9: {  	[tilespmem:s31], [sflag:$0x5] =	stream.indirect.gather [spmem:s2], $0x80, s10, s20, $0xb8;
	[tilespmem:$0x1AF78] =	vst v63  }
0xaa: {  	_ =	swait.ge [sflag:s1], $0x4000  }
0xab: {  	[sflag:s1] =	ssyncset.done $0x0  }
0xac: {  	s11 =	rddreg [dreg:$0xb];
	[sflag:s1] =	ssyncadd.s32 $0xFFFFC000  }
0xad: {  	[hbm4b:s11+s3] =	stream.linear.scatter [tilespmem:s23], [sflag:$0x7], $0x4000, $0x38;
	[tilespmem:$0x1AF78] =	vst v63  }
0xae: {  	_ =	swait.ge [sflag:s24], $0x4000  }
0xaf: {  	[sflag:s24] =	ssyncset.done $0x0  }
0xb0: {  	s12 =	rddreg [dreg:$0xc];
	[sflag:s24] =	ssyncadd.s32 $0xFFFFC000  }
0xb1: {  	[hbm4b:s12+s3] =	stream.linear.scatter [tilespmem:s25], [sflag:$0x8], $0x4000, $0x38;
	[tilespmem:$0x1AF78] =	vst v63  }
0xb2: {  	_ =	swait.ge [sflag:s22], $0x4000  }
0xb3: {  	[sflag:s22] =	ssyncset.done $0x0  }
0xb4: {  	[sflag:s22] =	ssyncadd.s32 $0xFFFFC000  }
0xb5: {  	[hbm4b:s13+s3] =	stream.linear.scatter [tilespmem:s28], [sflag:$0x9], $0x4000, $0x38;
	[tilespmem:$0x1AF78] =	vst v63  }
0xb6: {  	_ =	swait.ge [sflag:s5], $0x4000  }
0xb7: {  	[sflag:s5] =	ssyncset.done $0x0  }
0xb8: {  	[sflag:s5] =	ssyncadd.s32 $0xFFFFC000  }
0xb9: {  	[hbm4b:s14+s3] =	stream.linear.scatter [tilespmem:s31], [sflag:$0xA], $0x4000, $0x38;
	[tilespmem:$0x1AF78] =	vst v63  }
0xba: {  	_ =	swait.ge [sflag:s0], $0x4000  }
0xbb: {  	[sflag:s0] =	ssyncset.done $0x0  }
0xbc: {  	[sflag:s0] =	ssyncadd.s32 $0xFFFFC000  }
0xbd: {  	_ =	swait.ge [sflag:s26], $0x4000  }
0xbe: {  	[sflag:s26] =	ssyncset.done $0x0  }
0xbf: {  	[sflag:s26] =	ssyncadd.s32 $0xFFFFC000  }
0xc0: {  	_ =	swait.ge [sflag:s30], $0x4000  }
0xc1: {  	[sflag:s30] =	ssyncset.done $0x0  }
0xc2: {  	s8 =	sadd.s32 $0x1, s8;
	[sflag:s30] =	ssyncadd.s32 $0xFFFFC000  }
0xc3: {  	p1 =	sne.s32 s8, s15;
	_ =	swait.ge [sflag:s6], $0x4000  }
.Ltmp1:
0xc4: {  	[sflag:s6] =	ssyncset.done $0x0;
	(pc) =	sbr.rel @p1 .LBB2_1-.Ltmp1, $4  }
0xc5: {  	[sflag:s6] =	ssyncadd.s32 $0xFFFFC000  }
0xc6: {  	_ =	swait.ge [sflag:s7], $0x4000  }
0xc7: {  	[sflag:s7] =	ssyncset.done $0x0  }
0xc8: {  	[sflag:s7] =	ssyncadd.s32 $0xFFFFC000  }
0xc9: {  	_ =	sfence.sel $0x180000  }
0xca: {  	[bflag:$0x0] =	sbarrier.arrive $0xFFFF  }
0xcb: {  	_ =	strace $0x90000047  }
0xcc: {  	[bflag:$0x2] =	sbarrier.arrive $0xFFFF  }
0xcd: {  	s0 =	rddreg [dreg:$0x4]  }
0xce: {  	s0 =	sadd.s32 @!p0 $0x100000, s0  }
0xcf: {  	[sflag:s0] =	ssyncadd.tile.s32 @!p0 $0x1;
	_ =	shalt  }
.Lfunc_end2:
_tile_overlayer_lowered:
.L_overlay_start_2:
0xd0: {  	(tag) =	ssettag $0x2  }
0xd1: {  	s0 =	rddreg [dreg:$0x0];
	s2 =	stileid.u32  }
0xd2: {  	s1 =	rddreg [dreg:$0x1];
	p0 =	sne.s32 s2, $0x0  }
0xd3: {  	s3 =	rddreg [dreg:$0x2];
	[bflag:$0x3] =	sbarrier.arrive $0xFFFF;
	s2 =	simm.s32 @!p0 $0x1C0B  }
0xd4: {  	[timem:s3], [sflag:s2] =	dma.local @!p0 [hbm:s0], s1  }
0xd5: {  	s0 =	simm.s32 @!p0 $0xB  }
0xd6: {  	_ =	swait.ge @!p0 [sflag:s0], s1  }
0xd7: {  	s1 =	ssub.s32 @!p0 $0x0, s1;
	[sflag:s0] =	ssyncset.done @!p0 $0x0  }
0xd8: {  	[sflag:s0] =	ssyncadd.s32 @!p0 s1  }
0xd9: {  	[bflag:$0x3] =	sbarrier.arrive $0xFFFF  }
0xda: {  	_ =	shalt  }

</sc_bundles>
